<compile_context>
chip_gen: v7x
topology: tpu7x:2x2x1
jax: 0.10.2.dev20260603
libtpu: 0.0.44.dev20260713+nightly
codegen_flags: <defaults>
</compile_context>

<pallas_src>
import jax
import jax.numpy as jnp
from jax import lax
from jax.experimental import pallas as pl
from jax.experimental.pallas import tpu as pltpu
from jax.experimental.pallas import tpu_sc as plsc

B = 4096
F = 26
V = 100000
D = 16
L = 50

VP = 100352
VBLK = 100352
NVB = VP // VBLK
PROWS = F * VP // D

NC = 2
NS = 16
NW = NC * NS
EPW = B // NW
CH = 16
NCHUNK = EPW // CH
XROW = F + L

_SC_PARAMS = dict(
    compiler_params=pltpu.CompilerParams(
        needs_layout_passes=False, use_tc_tiling_on_sc=False))



def _p_body(t_ref, w_ref, o_ref):
    r0 = jnp.dot(w_ref[0], t_ref[0], preferred_element_type=jnp.float32)
    r1 = jnp.dot(w_ref[1], t_ref[1], preferred_element_type=jnp.float32)
    o_ref[...] = jnp.concatenate(
        [r0.reshape(VP // 128, 128), r1.reshape(VP // 128, 128)], axis=0)


def _tc_p(tab_t, w3):
    return pl.pallas_call(
        _p_body,
        grid=(F // 2,),
        in_specs=[
            pl.BlockSpec((2, D, VP), lambda f: (f, 0, 0)),
            pl.BlockSpec((2, 1, D), lambda f: (f, 0, 0)),
        ],
        out_specs=pl.BlockSpec((2 * VP // 128, 128), lambda f: (f, 0)),
        out_shape=jax.ShapeDtypeStruct((F * VP // 128, 128), jnp.float32),
    )(tab_t, w3)


def _q_body(t_ref, w_ref, o_ref):
    t = t_ref[...]
    w = w_ref[0]
    o_ref[...] = jnp.dot(w, t, preferred_element_type=jnp.float32
                         ).reshape(VBLK // 128, 128)


def _tc_q(var_t, w3):
    return pl.pallas_call(
        _q_body,
        grid=(NVB,),
        in_specs=[
            pl.BlockSpec((D, VBLK), lambda k: (0, k)),
            pl.BlockSpec((1, 1, D), lambda k: (F, 0, 0)),
        ],
        out_specs=pl.BlockSpec((VBLK // 128, 128), lambda k: (k, 0)),
        out_shape=jax.ShapeDtypeStruct((VP // 128, 128), jnp.float32),
    )(var_t, w3)



def _pool_body(x_hbm, q_hbm, sq_hbm, n0_hbm, xbuf, qbuf, sqbuf, n0buf, sem_q):
    wid = lax.axis_index("s") * NC + lax.axis_index("c")
    base = pl.multiple_of(wid * EPW, EPW)

    q_cp = pltpu.make_async_copy(q_hbm, qbuf, sem_q)
    q_cp.start()
    pltpu.sync_copy(x_hbm.at[:, pl.ds(base, EPW)], xbuf)
    q_cp.wait()

    lanes = lax.iota(jnp.int32, 16)

    def chunk(c, _):
        e0 = pl.multiple_of(c * CH, CH)
        elane = e0 + lanes

        def qstep(l, carry):
            sq, n0 = carry
            xv = plsc.load_gather(
                xbuf, [jnp.full((16,), F + l, jnp.int32), elane])
            val = plsc.load_gather(qbuf, [xv])
            live = xv != 0
            sq = sq + jnp.where(live, val, 0.0)
            n0 = n0 + jnp.where(live, 0.0, 1.0)
            return sq, n0
        sq, n0 = lax.fori_loop(
            0, L, qstep,
            (jnp.zeros((16,), jnp.float32), jnp.zeros((16,), jnp.float32)))
        sqbuf[pl.ds(e0, CH)] = sq
        n0buf[pl.ds(e0, CH)] = n0
        return _

    lax.fori_loop(0, NCHUNK, chunk, None)
    pltpu.sync_copy(sqbuf, sq_hbm.at[pl.ds(base, EPW)])
    pltpu.sync_copy(n0buf, n0_hbm.at[pl.ds(base, EPW)])



def _head_body(x_hbm, p_hbm, sq_hbm, n0_hbm, b_hbm, out_hbm,
               xbuf, bbuf, sqbuf, n0buf, sidx0, sidx1, srows0, srows1,
               outbuf, sem0, sem1):
    wid = lax.axis_index("s") * NC + lax.axis_index("c")
    base = pl.multiple_of(wid * EPW, EPW)

    pltpu.sync_copy(x_hbm.at[:, pl.ds(base, EPW)], xbuf)
    pltpu.sync_copy(sq_hbm.at[pl.ds(base, EPW)], sqbuf)
    pltpu.sync_copy(n0_hbm.at[pl.ds(base, EPW)], n0buf)
    pltpu.sync_copy(b_hbm, bbuf)

    lanes = lax.iota(jnp.int32, 16)
    bvec = bbuf[...]
    sidx = (sidx0, sidx1)
    srows = (srows0, srows1)
    sems = (sem0, sem1)

    def build(c):
        elane = c * CH + lanes

        def sfill(f, _):
            xv = plsc.load_gather(xbuf, [jnp.full((16,), f, jnp.int32), elane])
            sidx[c % 2][pl.ds(pl.multiple_of(f * CH, CH), CH)] = \
                f * (VP // D) + lax.shift_right_logical(xv, 4)
            return _
        lax.fori_loop(0, F, sfill, None)
        cp = pltpu.make_async_copy(p_hbm.at[sidx[c % 2]], srows[c % 2],
                                   sems[c % 2])
        cp.start()
        return cp

    cps = [None, None]
    cps[0] = build(0)
    for c in range(NCHUNK):
        if c + 1 < NCHUNK:
            cps[(c + 1) % 2] = build(c + 1)
        e0 = pl.multiple_of(c * CH, CH)
        elane = e0 + lanes

        cps[c % 2].wait()

        def pstep(f, sp):
            xv = plsc.load_gather(xbuf, [jnp.full((16,), f, jnp.int32), elane])
            val = plsc.load_gather(
                srows[c % 2], [f * CH + lanes, jnp.bitwise_and(xv, D - 1)])
            return sp + val
        sp = lax.fori_loop(0, F, pstep, jnp.zeros((16,), jnp.float32))

        cnt = jnp.float32(L) - n0buf[pl.ds(e0, CH)]
        logit = sp + sqbuf[pl.ds(e0, CH)] / (cnt + 1e-8) + bvec
        outbuf[pl.ds(e0, CH)] = 1.0 / (1.0 + jnp.exp(-logit))

    pltpu.sync_copy(outbuf, out_hbm.at[pl.ds(base, EPW)])


@jax.jit
def _run(x_t, tab_t, var_t, w2, b16):
    w3 = w2.reshape(F + 1, 1, D)
    w3p = jnp.concatenate(
        [w3, jnp.zeros((1, 1, D), jnp.float32)], axis=0)
    q = _tc_q(var_t, w3).reshape(VP)

    mesh = plsc.VectorSubcoreMesh(core_axis_name="c", subcore_axis_name="s")
    pool = pl.kernel(
        _pool_body,
        out_type=(jax.ShapeDtypeStruct((B,), jnp.float32),
                  jax.ShapeDtypeStruct((B,), jnp.float32)),
        mesh=mesh,
        scratch_types=[
            pltpu.VMEM((XROW, EPW), jnp.int32),
            pltpu.VMEM((VP,), jnp.float32),
            pltpu.VMEM((EPW,), jnp.float32),
            pltpu.VMEM((EPW,), jnp.float32),
            pltpu.SemaphoreType.DMA,
        ],
        **_SC_PARAMS,
    )
    sq, n0 = pool(x_t, q)

    p = _tc_p(tab_t, w3p).reshape(PROWS, D)

    head = pl.kernel(
        _head_body,
        out_type=jax.ShapeDtypeStruct((B,), jnp.float32),
        mesh=mesh,
        scratch_types=[
            pltpu.VMEM((XROW, EPW), jnp.int32),
            pltpu.VMEM((16,), jnp.float32),
            pltpu.VMEM((EPW,), jnp.float32),
            pltpu.VMEM((EPW,), jnp.float32),
            pltpu.VMEM((F * CH,), jnp.int32),
            pltpu.VMEM((F * CH,), jnp.int32),
            pltpu.VMEM((F * CH, D), jnp.float32),
            pltpu.VMEM((F * CH, D), jnp.float32),
            pltpu.VMEM((EPW,), jnp.float32),
            pltpu.SemaphoreType.DMA,
            pltpu.SemaphoreType.DMA,
        ],
        **_SC_PARAMS,
    )
    return head(x_t, p, sq, n0, b16)


def kernel(X, tables, var_table, W, b):
    tab_t = jnp.transpose(tables, (0, 2, 1))
    var_t = var_table.T
    x_t = X.T
    w2 = W.reshape(F + 1, D)
    b16 = jnp.broadcast_to(b.astype(jnp.float32), (16,))
    out = _run(x_t, tab_t, var_t, w2, b16)
    return out.reshape(B, 1)

# --- scband reference (transcript-rebuilt; emitter-appended) ---
"""Pipeline reference for scband-base-model-3882650436469 (READ-ONLY COPY).

The authoritative reference and input builder live on the scoring server;
editing this copy changes nothing except your own understanding.
"""

import jax, jax.numpy as jnp
import numpy as np

B = 4096      # batch
F = 26        # n sparse fields (Criteo-style)
V = 100000    # vocabulary size per field
D = 16        # embedding dim
L = 50        # varlen history length (mean-pooled, masked on idx==0)


def setup_inputs(seed: int = 0) -> dict:
    key = jax.random.key(seed)
    k1, k2, k3, k4 = jax.random.split(key, 4)
    # packed feature tensor: first F cols = sparse feature indices,
    # next L cols = variable-length history indices (0 == padding)
    X = jax.random.randint(k1, (B, F + L), 0, V, dtype=jnp.int32)
    # per-field embedding tables (stacked), init_std=1e-4 like create_embedding_matrix
    tables = jax.random.normal(k2, (F, V, D), dtype=jnp.float32) * 1e-4
    # varlen feature embedding table
    var_table = jax.random.normal(k3, (V, D), dtype=jnp.float32) * 1e-4
    # final linear/prediction head over concatenated embeddings
    W = jax.random.normal(k4, ((F + 1) * D, 1), dtype=jnp.float32) * 0.01
    b = jnp.zeros((1,), dtype=jnp.float32)
    return {"X": X, "tables": tables, "var_table": var_table, "W": W, "b": b}


def reference(X, tables, var_table, W, b):
    Bc = X.shape[0]
    sparse_idx = X[:, :F]          # [B, F]
    seq_idx = X[:, F:]             # [B, L]
    # embedding lookup per field: tables[f][X[:, f]]
    field_ids = jnp.arange(F)[None, :]          # [1, F]
    sparse_emb = tables[field_ids, sparse_idx]  # [B, F, D] gather
    # varlen lookup + masked mean pooling (SequencePoolingLayer mode='mean',
    # supports_masking=True: mask = idx != 0)
    seq_emb = var_table[seq_idx]                # [B, L, D] gather
    mask = (seq_idx != 0).astype(jnp.float32)[..., None]   # [B, L, 1]
    pooled = jnp.sum(seq_emb * mask, axis=1) / (jnp.sum(mask, axis=1) + 1e-8)  # [B, D]
    dnn_input = jnp.concatenate([sparse_emb.reshape(Bc, -1), pooled], axis=1)  # [B, (F+1)*D]
    logit = dnn_input @ W + b                   # [B, 1]
    # PredictionLayer(task='binary') -> sigmoid
    return jax.nn.sigmoid(logit)

if __name__ == "__main__":
    import jax
    _d = setup_inputs()
    print(jax.jit(kernel)(*tuple(_d.values())))

</pallas_src>

<mosaic_0001>
#map = affine_map<(d0, d1) -> (0, 0)>
#map1 = affine_map<(d0, d1) -> (0)>
module attributes {stable_mosaic.version = 14 : i64} {
  func.func @_head_body(%arg0: i32, %arg1: i32, %arg2: memref<76x4096xi32, #tpu.memory_space<hbm>>, %arg3: memref<163072x16xf32, #tpu.memory_space<hbm>>, %arg4: memref<4096xf32, #tpu.memory_space<hbm>>, %arg5: memref<4096xf32, #tpu.memory_space<hbm>>, %arg6: memref<16xf32, #tpu.memory_space<hbm>>, %arg7: memref<4096xf32, #tpu.memory_space<hbm>>, %arg8: memref<76x128xi32, #tpu.memory_space<vmem>>, %arg9: memref<16xf32, #tpu.memory_space<vmem>>, %arg10: memref<128xf32, #tpu.memory_space<vmem>>, %arg11: memref<128xf32, #tpu.memory_space<vmem>>, %arg12: memref<416xi32, #tpu.memory_space<vmem>>, %arg13: memref<416xi32, #tpu.memory_space<vmem>>, %arg14: memref<416x16xf32, #tpu.memory_space<vmem>>, %arg15: memref<416x16xf32, #tpu.memory_space<vmem>>, %arg16: memref<128xf32, #tpu.memory_space<vmem>>, %arg17: memref<!tpu.dma_semaphore, #tpu.memory_space<semaphore_mem>>, %arg18: memref<!tpu.dma_semaphore, #tpu.memory_space<semaphore_mem>>) attributes {dimension_semantics = [#tpu.dimension_semantics<core_parallel>, #tpu.dimension_semantics<subcore_parallel>], iteration_bounds = array<i64: 2, 16>, scalar_prefetch = 0 : i64, scratch_operands = 11 : i64, tpu.core_type = #tpu.core_type<sc_vector_subcore>, window_params = [{transform_indices = #map}, {transform_indices = #map}, {transform_indices = #map1}, {transform_indices = #map1}, {transform_indices = #map1}, {transform_indices = #map1}]} {
    %mul3A = arith.constant 2 : i32
    %mul3A_0 = arith.muli %arg1, %mul3A : i32
    %add3A = arith.addi %mul3A_0, %arg0 : i32
    %mul3A_1 = arith.constant 128 : i32
    %mul3A_2 = arith.muli %add3A, %mul3A_1 : i32
    %multiple_of3A = tpu.assume_multiple %mul3A_2, 128 : i32
    "tpu.region"() ({
      %run_scoped3A = tpu.sem_alloc : memref<!tpu.dma_semaphore, #tpu.memory_space<semaphore_mem>>
      %dma_start3A_403 = arith.constant 0 : i32
      %dma_start3A_404 = tpu.memref_slice %arg2[%dma_start3A_403, %multiple_of3A] : memref<76x4096xi32, #tpu.memory_space<hbm>> -> memref<76x128xi32, #tpu.memory_space<hbm>>
      %dma_start3A_405 = arith.constant 0 : i32
      %dma_start3A_406 = tpu.memref_slice %arg2[%dma_start3A_405, %multiple_of3A] : memref<76x4096xi32, #tpu.memory_space<hbm>> -> memref<76x128xi32, #tpu.memory_space<hbm>>
      tpu.enqueue_dma source(%dma_start3A_406 : memref<76x128xi32, #tpu.memory_space<hbm>>) target(%arg8 : memref<76x128xi32, #tpu.memory_space<vmem>>) target_semaphore(%run_scoped3A : memref<!tpu.dma_semaphore, #tpu.memory_space<semaphore_mem>>)
      %dma_wait3A_407 = arith.constant 0 : i32
      %dma_wait3A_408 = tpu.memref_slice %arg2[%dma_wait3A_407, %multiple_of3A] : memref<76x4096xi32, #tpu.memory_space<hbm>> -> memref<76x128xi32, #tpu.memory_space<hbm>>
      %dma_wait3A_409 = arith.constant 0 : i32
      %dma_wait3A_410 = tpu.memref_slice %arg2[%dma_wait3A_409, %multiple_of3A] : memref<76x4096xi32, #tpu.memory_space<hbm>> -> memref<76x128xi32, #tpu.memory_space<hbm>>
      tpu.wait_dma2 semaphore(%run_scoped3A : memref<!tpu.dma_semaphore, #tpu.memory_space<semaphore_mem>>) src(%dma_wait3A_410 : memref<76x128xi32, #tpu.memory_space<hbm>>) dst(%arg8 : memref<76x128xi32, #tpu.memory_space<vmem>>)
      tpu.yield
    }) : () -> ()
    "tpu.region"() ({
      %run_scoped3A = tpu.sem_alloc : memref<!tpu.dma_semaphore, #tpu.memory_space<semaphore_mem>>
      %dma_start3A_403 = tpu.memref_slice %arg4[%multiple_of3A] : memref<4096xf32, #tpu.memory_space<hbm>> -> memref<128xf32, #tpu.memory_space<hbm>>
      %dma_start3A_404 = tpu.memref_slice %arg4[%multiple_of3A] : memref<4096xf32, #tpu.memory_space<hbm>> -> memref<128xf32, #tpu.memory_space<hbm>>
      tpu.enqueue_dma source(%dma_start3A_404 : memref<128xf32, #tpu.memory_space<hbm>>) target(%arg10 : memref<128xf32, #tpu.memory_space<vmem>>) target_semaphore(%run_scoped3A : memref<!tpu.dma_semaphore, #tpu.memory_space<semaphore_mem>>)
      %dma_wait3A_405 = tpu.memref_slice %arg4[%multiple_of3A] : memref<4096xf32, #tpu.memory_space<hbm>> -> memref<128xf32, #tpu.memory_space<hbm>>
      %dma_wait3A_406 = tpu.memref_slice %arg4[%multiple_of3A] : memref<4096xf32, #tpu.memory_space<hbm>> -> memref<128xf32, #tpu.memory_space<hbm>>
      tpu.wait_dma2 semaphore(%run_scoped3A : memref<!tpu.dma_semaphore, #tpu.memory_space<semaphore_mem>>) src(%dma_wait3A_406 : memref<128xf32, #tpu.memory_space<hbm>>) dst(%arg10 : memref<128xf32, #tpu.memory_space<vmem>>)
      tpu.yield
    }) : () -> ()
    "tpu.region"() ({
      %run_scoped3A = tpu.sem_alloc : memref<!tpu.dma_semaphore, #tpu.memory_space<semaphore_mem>>
      %dma_start3A_403 = tpu.memref_slice %arg5[%multiple_of3A] : memref<4096xf32, #tpu.memory_space<hbm>> -> memref<128xf32, #tpu.memory_space<hbm>>
      %dma_start3A_404 = tpu.memref_slice %arg5[%multiple_of3A] : memref<4096xf32, #tpu.memory_space<hbm>> -> memref<128xf32, #tpu.memory_space<hbm>>
      tpu.enqueue_dma source(%dma_start3A_404 : memref<128xf32, #tpu.memory_space<hbm>>) target(%arg11 : memref<128xf32, #tpu.memory_space<vmem>>) target_semaphore(%run_scoped3A : memref<!tpu.dma_semaphore, #tpu.memory_space<semaphore_mem>>)
      %dma_wait3A_405 = tpu.memref_slice %arg5[%multiple_of3A] : memref<4096xf32, #tpu.memory_space<hbm>> -> memref<128xf32, #tpu.memory_space<hbm>>
      %dma_wait3A_406 = tpu.memref_slice %arg5[%multiple_of3A] : memref<4096xf32, #tpu.memory_space<hbm>> -> memref<128xf32, #tpu.memory_space<hbm>>
      tpu.wait_dma2 semaphore(%run_scoped3A : memref<!tpu.dma_semaphore, #tpu.memory_space<semaphore_mem>>) src(%dma_wait3A_406 : memref<128xf32, #tpu.memory_space<hbm>>) dst(%arg11 : memref<128xf32, #tpu.memory_space<vmem>>)
      tpu.yield
    }) : () -> ()
    "tpu.region"() ({
      %run_scoped3A = tpu.sem_alloc : memref<!tpu.dma_semaphore, #tpu.memory_space<semaphore_mem>>
      tpu.enqueue_dma source(%arg6 : memref<16xf32, #tpu.memory_space<hbm>>) target(%arg9 : memref<16xf32, #tpu.memory_space<vmem>>) target_semaphore(%run_scoped3A : memref<!tpu.dma_semaphore, #tpu.memory_space<semaphore_mem>>)
      tpu.wait_dma2 semaphore(%run_scoped3A : memref<!tpu.dma_semaphore, #tpu.memory_space<semaphore_mem>>) src(%arg6 : memref<16xf32, #tpu.memory_space<hbm>>) dst(%arg9 : memref<16xf32, #tpu.memory_space<vmem>>)
      tpu.yield
    }) : () -> ()
    %iota3A = tpu.iota {dimensions = array<i32: 0>} : vector<16xi32>
    %get3A = arith.constant 0 : index
    %get3A_3 = tpu.vector_load %arg9[%get3A] {strides = array<i32>} : memref<16xf32, #tpu.memory_space<vmem>>, vector<16xf32>,
    %add3A_4 = arith.constant 0 : i32
    %add3A_5 = vector.broadcast %add3A_4 : i32 to vector<16xi32>
    %add3A_6 = arith.addi %add3A_5, %iota3A : vector<16xi32>
    %scan3A = arith.constant 0 : i32
    %scan3A_7 = arith.constant 26 : i32
    %scan3A_8 = arith.addi %scan3A, %scan3A_7 : i32
    %scan3A_9 = arith.constant 1 : i32
    scf.for %scan3A_403 = %scan3A to %scan3A_8 step %scan3A_9  : i32 {
      %broadcast_in_dim3A_404 = vector.broadcast %scan3A_403 : i32 to vector<16xi32>
      %gather3A = tpu.vector_load_idx %arg8[%broadcast_in_dim3A_404, %add3A_6] : memref<76x128xi32, #tpu.memory_space<vmem>>[vector<16xi32>, vector<16xi32>], vector<16xi32>,
      %mul3A_405 = arith.constant 6272 : i32
      %mul3A_406 = arith.muli %scan3A_403, %mul3A_405 : i32
      %shift_right_logical3A = arith.constant 4 : i32
      %shift_right_logical3A_407 = vector.broadcast %shift_right_logical3A : i32 to vector<16xi32>
      %shift_right_logical3A_408 = arith.shrui %gather3A, %shift_right_logical3A_407 : vector<16xi32>
      %add3A_409 = vector.broadcast %mul3A_406 : i32 to vector<16xi32>
      %add3A_410 = arith.addi %add3A_409, %shift_right_logical3A_408 : vector<16xi32>
      %mul3A_411 = arith.constant 16 : i32
      %mul3A_412 = arith.muli %scan3A_403, %mul3A_411 : i32
      %multiple_of3A_413 = tpu.assume_multiple %mul3A_412, 16 : i32
      %swap3A_414 = arith.index_cast %multiple_of3A_413 : i32 to index
      %swap3A_415 = tpu.vector_load %arg12[%swap3A_414] {strides = array<i32>} : memref<416xi32, #tpu.memory_space<vmem>>, vector<16xi32>,
      tpu.vector_store %arg12[%swap3A_414], %add3A_410 {strides = array<i32>} : memref<416xi32, #tpu.memory_space<vmem>>, vector<16xi32>,
    }
    %scan3A_10 = arith.constant 26 : i32
    %dma_start3A = arith.constant 0 : i32
    %dma_start3A_11 = arith.constant 0 : i32
    %dma_start3A_12 = tpu.memref_slice %arg3[%dma_start3A, %dma_start3A_11] : memref<163072x16xf32, #tpu.memory_space<hbm>> -> memref<163072x16xf32, #tpu.memory_space<hbm>>
    tpu.enqueue_indirect_dma source(%dma_start3A_12 : memref<163072x16xf32, #tpu.memory_space<hbm>>) target(%arg14 : memref<416x16xf32, #tpu.memory_space<vmem>>) offsets(%arg12 : memref<416xi32, #tpu.memory_space<vmem>>) semaphore(%arg17 : memref<!tpu.dma_semaphore, #tpu.memory_space<semaphore_mem>>)
    %add3A_13 = arith.constant 16 : i32
    %add3A_14 = vector.broadcast %add3A_13 : i32 to vector<16xi32>
    %add3A_15 = arith.addi %add3A_14, %iota3A : vector<16xi32>
    %scan3A_16 = arith.constant 0 : i32
    %scan3A_17 = arith.constant 26 : i32
    %scan3A_18 = arith.addi %scan3A_16, %scan3A_17 : i32
    %scan3A_19 = arith.constant 1 : i32
    scf.for %scan3A_403 = %scan3A_16 to %scan3A_18 step %scan3A_19  : i32 {
      %broadcast_in_dim3A_404 = vector.broadcast %scan3A_403 : i32 to vector<16xi32>
      %gather3A = tpu.vector_load_idx %arg8[%broadcast_in_dim3A_404, %add3A_15] : memref<76x128xi32, #tpu.memory_space<vmem>>[vector<16xi32>, vector<16xi32>], vector<16xi32>,
      %mul3A_405 = arith.constant 6272 : i32
      %mul3A_406 = arith.muli %scan3A_403, %mul3A_405 : i32
      %shift_right_logical3A = arith.constant 4 : i32
      %shift_right_logical3A_407 = vector.broadcast %shift_right_logical3A : i32 to vector<16xi32>
      %shift_right_logical3A_408 = arith.shrui %gather3A, %shift_right_logical3A_407 : vector<16xi32>
      %add3A_409 = vector.broadcast %mul3A_406 : i32 to vector<16xi32>
      %add3A_410 = arith.addi %add3A_409, %shift_right_logical3A_408 : vector<16xi32>
      %mul3A_411 = arith.constant 16 : i32
      %mul3A_412 = arith.muli %scan3A_403, %mul3A_411 : i32
      %multiple_of3A_413 = tpu.assume_multiple %mul3A_412, 16 : i32
      %swap3A_414 = arith.index_cast %multiple_of3A_413 : i32 to index
      %swap3A_415 = tpu.vector_load %arg13[%swap3A_414] {strides = array<i32>} : memref<416xi32, #tpu.memory_space<vmem>>, vector<16xi32>,
      tpu.vector_store %arg13[%swap3A_414], %add3A_410 {strides = array<i32>} : memref<416xi32, #tpu.memory_space<vmem>>, vector<16xi32>,
    }
    %scan3A_20 = arith.constant 26 : i32
    %dma_start3A_21 = arith.constant 0 : i32
    %dma_start3A_22 = arith.constant 0 : i32
    %dma_start3A_23 = tpu.memref_slice %arg3[%dma_start3A_21, %dma_start3A_22] : memref<163072x16xf32, #tpu.memory_space<hbm>> -> memref<163072x16xf32, #tpu.memory_space<hbm>>
    tpu.enqueue_indirect_dma source(%dma_start3A_23 : memref<163072x16xf32, #tpu.memory_space<hbm>>) target(%arg15 : memref<416x16xf32, #tpu.memory_space<vmem>>) offsets(%arg13 : memref<416xi32, #tpu.memory_space<vmem>>) semaphore(%arg18 : memref<!tpu.dma_semaphore, #tpu.memory_space<semaphore_mem>>)
    %multiple_of3A_24 = arith.constant 0 : i32
    %multiple_of3A_25 = tpu.assume_multiple %multiple_of3A_24, 16 : i32
    %add3A_26 = vector.broadcast %multiple_of3A_25 : i32 to vector<16xi32>
    %add3A_27 = arith.addi %add3A_26, %iota3A : vector<16xi32>
    %dma_wait3A = arith.constant 0 : i32
    %dma_wait3A_28 = arith.constant 0 : i32
    %dma_wait3A_29 = tpu.memref_slice %arg3[%dma_wait3A, %dma_wait3A_28] : memref<163072x16xf32, #tpu.memory_space<hbm>> -> memref<163072x16xf32, #tpu.memory_space<hbm>>
    tpu.wait_indirect_dma semaphore(%arg17 : memref<!tpu.dma_semaphore, #tpu.memory_space<semaphore_mem>>) src(%dma_wait3A_29 : memref<163072x16xf32, #tpu.memory_space<hbm>>) dst(%arg14 : memref<416x16xf32, #tpu.memory_space<vmem>>)
    %broadcast_in_dim3A = arith.constant 0.000000e+00 : f32
    %broadcast_in_dim3A_30 = vector.broadcast %broadcast_in_dim3A : f32 to vector<16xf32>
    %scan3A_31 = arith.constant 0 : i32
    %scan3A_32 = arith.constant 26 : i32
    %scan3A_33 = arith.addi %scan3A_31, %scan3A_32 : i32
    %scan3A_34 = arith.constant 1 : i32
    %scan3A_35 = scf.for %scan3A_403 = %scan3A_31 to %scan3A_33 step %scan3A_34 iter_args(%scan3A_404 = %broadcast_in_dim3A_30) -> (vector<16xf32>)  : i32 {
      %broadcast_in_dim3A_405 = vector.broadcast %scan3A_403 : i32 to vector<16xi32>
      %gather3A = tpu.vector_load_idx %arg8[%broadcast_in_dim3A_405, %add3A_27] : memref<76x128xi32, #tpu.memory_space<vmem>>[vector<16xi32>, vector<16xi32>], vector<16xi32>,
      %mul3A_406 = arith.constant 16 : i32
      %mul3A_407 = arith.muli %scan3A_403, %mul3A_406 : i32
      %add3A_408 = vector.broadcast %mul3A_407 : i32 to vector<16xi32>
      %add3A_409 = arith.addi %add3A_408, %iota3A : vector<16xi32>
      %and3A = arith.constant 15 : i32
      %and3A_410 = vector.broadcast %and3A : i32 to vector<16xi32>
      %and3A_411 = arith.andi %gather3A, %and3A_410 : vector<16xi32>
      %gather3A_412 = tpu.vector_load_idx %arg14[%add3A_409, %and3A_411] : memref<416x16xf32, #tpu.memory_space<vmem>>[vector<16xi32>, vector<16xi32>], vector<16xf32>,
      %add3A_413 = arith.addf %scan3A_404, %gather3A_412 : vector<16xf32>
      scf.yield %add3A_413 : vector<16xf32>
    }
    %scan3A_36 = arith.constant 26 : i32
    %get3A_37 = arith.index_cast %multiple_of3A_25 : i32 to index
    %get3A_38 = tpu.vector_load %arg11[%get3A_37] {strides = array<i32>} : memref<128xf32, #tpu.memory_space<vmem>>, vector<16xf32>,
    %sub3A = arith.constant 5.000000e+01 : f32
    %sub3A_39 = vector.broadcast %sub3A : f32 to vector<16xf32>
    %sub3A_40 = arith.subf %sub3A_39, %get3A_38 : vector<16xf32>
    %get3A_41 = arith.index_cast %multiple_of3A_25 : i32 to index
    %get3A_42 = tpu.vector_load %arg10[%get3A_41] {strides = array<i32>} : memref<128xf32, #tpu.memory_space<vmem>>, vector<16xf32>,
    %add3A_43 = arith.constant 9.99999993E-9 : f32
    %add3A_44 = vector.broadcast %add3A_43 : f32 to vector<16xf32>
    %add3A_45 = arith.addf %sub3A_40, %add3A_44 : vector<16xf32>
    %div3A = arith.divf %get3A_42, %add3A_45 : vector<16xf32>
    %add3A_46 = arith.addf %scan3A_35, %div3A : vector<16xf32>
    %add3A_47 = arith.addf %add3A_46, %get3A_3 : vector<16xf32>
    %neg3A = arith.constant 0.000000e+00 : f32
    %neg3A_48 = vector.broadcast %neg3A : f32 to vector<16xf32>
    %neg3A_49 = arith.subf %neg3A_48, %add3A_47 : vector<16xf32>
    %exp3A = math.exp %neg3A_49 : vector<16xf32>
    %add3A_50 = arith.constant 1.000000e+00 : f32
    %add3A_51 = vector.broadcast %add3A_50 : f32 to vector<16xf32>
    %add3A_52 = arith.addf %add3A_51, %exp3A : vector<16xf32>
    %div3A_53 = arith.constant 1.000000e+00 : f32
    %div3A_54 = vector.broadcast %div3A_53 : f32 to vector<16xf32>
    %div3A_55 = arith.divf %div3A_54, %add3A_52 : vector<16xf32>
    %swap3A = arith.index_cast %multiple_of3A_25 : i32 to index
    %swap3A_56 = tpu.vector_load %arg16[%swap3A] {strides = array<i32>} : memref<128xf32, #tpu.memory_space<vmem>>, vector<16xf32>,
    tpu.vector_store %arg16[%swap3A], %div3A_55 {strides = array<i32>} : memref<128xf32, #tpu.memory_space<vmem>>, vector<16xf32>,
    %add3A_57 = arith.constant 32 : i32
    %add3A_58 = vector.broadcast %add3A_57 : i32 to vector<16xi32>
    %add3A_59 = arith.addi %add3A_58, %iota3A : vector<16xi32>
    %scan3A_60 = arith.constant 0 : i32
    %scan3A_61 = arith.constant 26 : i32
    %scan3A_62 = arith.addi %scan3A_60, %scan3A_61 : i32
    %scan3A_63 = arith.constant 1 : i32
    scf.for %scan3A_403 = %scan3A_60 to %scan3A_62 step %scan3A_63  : i32 {
      %broadcast_in_dim3A_404 = vector.broadcast %scan3A_403 : i32 to vector<16xi32>
      %gather3A = tpu.vector_load_idx %arg8[%broadcast_in_dim3A_404, %add3A_59] : memref<76x128xi32, #tpu.memory_space<vmem>>[vector<16xi32>, vector<16xi32>], vector<16xi32>,
      %mul3A_405 = arith.constant 6272 : i32
      %mul3A_406 = arith.muli %scan3A_403, %mul3A_405 : i32
      %shift_right_logical3A = arith.constant 4 : i32
      %shift_right_logical3A_407 = vector.broadcast %shift_right_logical3A : i32 to vector<16xi32>
      %shift_right_logical3A_408 = arith.shrui %gather3A, %shift_right_logical3A_407 : vector<16xi32>
      %add3A_409 = vector.broadcast %mul3A_406 : i32 to vector<16xi32>
      %add3A_410 = arith.addi %add3A_409, %shift_right_logical3A_408 : vector<16xi32>
      %mul3A_411 = arith.constant 16 : i32
      %mul3A_412 = arith.muli %scan3A_403, %mul3A_411 : i32
      %multiple_of3A_413 = tpu.assume_multiple %mul3A_412, 16 : i32
      %swap3A_414 = arith.index_cast %multiple_of3A_413 : i32 to index
      %swap3A_415 = tpu.vector_load %arg12[%swap3A_414] {strides = array<i32>} : memref<416xi32, #tpu.memory_space<vmem>>, vector<16xi32>,
      tpu.vector_store %arg12[%swap3A_414], %add3A_410 {strides = array<i32>} : memref<416xi32, #tpu.memory_space<vmem>>, vector<16xi32>,
    }
    %scan3A_64 = arith.constant 26 : i32
    %dma_start3A_65 = arith.constant 0 : i32
    %dma_start3A_66 = arith.constant 0 : i32
    %dma_start3A_67 = tpu.memref_slice %arg3[%dma_start3A_65, %dma_start3A_66] : memref<163072x16xf32, #tpu.memory_space<hbm>> -> memref<163072x16xf32, #tpu.memory_space<hbm>>
    tpu.enqueue_indirect_dma source(%dma_start3A_67 : memref<163072x16xf32, #tpu.memory_space<hbm>>) target(%arg14 : memref<416x16xf32, #tpu.memory_space<vmem>>) offsets(%arg12 : memref<416xi32, #tpu.memory_space<vmem>>) semaphore(%arg17 : memref<!tpu.dma_semaphore, #tpu.memory_space<semaphore_mem>>)
    %multiple_of3A_68 = arith.constant 16 : i32
    %multiple_of3A_69 = tpu.assume_multiple %multiple_of3A_68, 16 : i32
    %add3A_70 = vector.broadcast %multiple_of3A_69 : i32 to vector<16xi32>
    %add3A_71 = arith.addi %add3A_70, %iota3A : vector<16xi32>
    %dma_wait3A_72 = arith.constant 0 : i32
    %dma_wait3A_73 = arith.constant 0 : i32
    %dma_wait3A_74 = tpu.memref_slice %arg3[%dma_wait3A_72, %dma_wait3A_73] : memref<163072x16xf32, #tpu.memory_space<hbm>> -> memref<163072x16xf32, #tpu.memory_space<hbm>>
    tpu.wait_indirect_dma semaphore(%arg18 : memref<!tpu.dma_semaphore, #tpu.memory_space<semaphore_mem>>) src(%dma_wait3A_74 : memref<163072x16xf32, #tpu.memory_space<hbm>>) dst(%arg15 : memref<416x16xf32, #tpu.memory_space<vmem>>)
    %broadcast_in_dim3A_75 = arith.constant 0.000000e+00 : f32
    %broadcast_in_dim3A_76 = vector.broadcast %broadcast_in_dim3A_75 : f32 to vector<16xf32>
    %scan3A_77 = arith.constant 0 : i32
    %scan3A_78 = arith.constant 26 : i32
    %scan3A_79 = arith.addi %scan3A_77, %scan3A_78 : i32
    %scan3A_80 = arith.constant 1 : i32
    %scan3A_81 = scf.for %scan3A_403 = %scan3A_77 to %scan3A_79 step %scan3A_80 iter_args(%scan3A_404 = %broadcast_in_dim3A_76) -> (vector<16xf32>)  : i32 {
      %broadcast_in_dim3A_405 = vector.broadcast %scan3A_403 : i32 to vector<16xi32>
      %gather3A = tpu.vector_load_idx %arg8[%broadcast_in_dim3A_405, %add3A_71] : memref<76x128xi32, #tpu.memory_space<vmem>>[vector<16xi32>, vector<16xi32>], vector<16xi32>,
      %mul3A_406 = arith.constant 16 : i32
      %mul3A_407 = arith.muli %scan3A_403, %mul3A_406 : i32
      %add3A_408 = vector.broadcast %mul3A_407 : i32 to vector<16xi32>
      %add3A_409 = arith.addi %add3A_408, %iota3A : vector<16xi32>
      %and3A = arith.constant 15 : i32
      %and3A_410 = vector.broadcast %and3A : i32 to vector<16xi32>
      %and3A_411 = arith.andi %gather3A, %and3A_410 : vector<16xi32>
      %gather3A_412 = tpu.vector_load_idx %arg15[%add3A_409, %and3A_411] : memref<416x16xf32, #tpu.memory_space<vmem>>[vector<16xi32>, vector<16xi32>], vector<16xf32>,
      %add3A_413 = arith.addf %scan3A_404, %gather3A_412 : vector<16xf32>
      scf.yield %add3A_413 : vector<16xf32>
    }
    %scan3A_82 = arith.constant 26 : i32
    %get3A_83 = arith.index_cast %multiple_of3A_69 : i32 to index
    %get3A_84 = tpu.vector_load %arg11[%get3A_83] {strides = array<i32>} : memref<128xf32, #tpu.memory_space<vmem>>, vector<16xf32>,
    %sub3A_85 = arith.constant 5.000000e+01 : f32
    %sub3A_86 = vector.broadcast %sub3A_85 : f32 to vector<16xf32>
    %sub3A_87 = arith.subf %sub3A_86, %get3A_84 : vector<16xf32>
    %get3A_88 = arith.index_cast %multiple_of3A_69 : i32 to index
    %get3A_89 = tpu.vector_load %arg10[%get3A_88] {strides = array<i32>} : memref<128xf32, #tpu.memory_space<vmem>>, vector<16xf32>,
    %add3A_90 = arith.constant 9.99999993E-9 : f32
    %add3A_91 = vector.broadcast %add3A_90 : f32 to vector<16xf32>
    %add3A_92 = arith.addf %sub3A_87, %add3A_91 : vector<16xf32>
    %div3A_93 = arith.divf %get3A_89, %add3A_92 : vector<16xf32>
    %add3A_94 = arith.addf %scan3A_81, %div3A_93 : vector<16xf32>
    %add3A_95 = arith.addf %add3A_94, %get3A_3 : vector<16xf32>
    %neg3A_96 = arith.constant 0.000000e+00 : f32
    %neg3A_97 = vector.broadcast %neg3A_96 : f32 to vector<16xf32>
    %neg3A_98 = arith.subf %neg3A_97, %add3A_95 : vector<16xf32>
    %exp3A_99 = math.exp %neg3A_98 : vector<16xf32>
    %add3A_100 = arith.constant 1.000000e+00 : f32
    %add3A_101 = vector.broadcast %add3A_100 : f32 to vector<16xf32>
    %add3A_102 = arith.addf %add3A_101, %exp3A_99 : vector<16xf32>
    %div3A_103 = arith.constant 1.000000e+00 : f32
    %div3A_104 = vector.broadcast %div3A_103 : f32 to vector<16xf32>
    %div3A_105 = arith.divf %div3A_104, %add3A_102 : vector<16xf32>
    %swap3A_106 = arith.index_cast %multiple_of3A_69 : i32 to index
    %swap3A_107 = tpu.vector_load %arg16[%swap3A_106] {strides = array<i32>} : memref<128xf32, #tpu.memory_space<vmem>>, vector<16xf32>,
    tpu.vector_store %arg16[%swap3A_106], %div3A_105 {strides = array<i32>} : memref<128xf32, #tpu.memory_space<vmem>>, vector<16xf32>,
    %add3A_108 = arith.constant 48 : i32
    %add3A_109 = vector.broadcast %add3A_108 : i32 to vector<16xi32>
    %add3A_110 = arith.addi %add3A_109, %iota3A : vector<16xi32>
    %scan3A_111 = arith.constant 0 : i32
    %scan3A_112 = arith.constant 26 : i32
    %scan3A_113 = arith.addi %scan3A_111, %scan3A_112 : i32
    %scan3A_114 = arith.constant 1 : i32
    scf.for %scan3A_403 = %scan3A_111 to %scan3A_113 step %scan3A_114  : i32 {
      %broadcast_in_dim3A_404 = vector.broadcast %scan3A_403 : i32 to vector<16xi32>
      %gather3A = tpu.vector_load_idx %arg8[%broadcast_in_dim3A_404, %add3A_110] : memref<76x128xi32, #tpu.memory_space<vmem>>[vector<16xi32>, vector<16xi32>], vector<16xi32>,
      %mul3A_405 = arith.constant 6272 : i32
      %mul3A_406 = arith.muli %scan3A_403, %mul3A_405 : i32
      %shift_right_logical3A = arith.constant 4 : i32
      %shift_right_logical3A_407 = vector.broadcast %shift_right_logical3A : i32 to vector<16xi32>
      %shift_right_logical3A_408 = arith.shrui %gather3A, %shift_right_logical3A_407 : vector<16xi32>
      %add3A_409 = vector.broadcast %mul3A_406 : i32 to vector<16xi32>
      %add3A_410 = arith.addi %add3A_409, %shift_right_logical3A_408 : vector<16xi32>
      %mul3A_411 = arith.constant 16 : i32
      %mul3A_412 = arith.muli %scan3A_403, %mul3A_411 : i32
      %multiple_of3A_413 = tpu.assume_multiple %mul3A_412, 16 : i32
      %swap3A_414 = arith.index_cast %multiple_of3A_413 : i32 to index
      %swap3A_415 = tpu.vector_load %arg13[%swap3A_414] {strides = array<i32>} : memref<416xi32, #tpu.memory_space<vmem>>, vector<16xi32>,
      tpu.vector_store %arg13[%swap3A_414], %add3A_410 {strides = array<i32>} : memref<416xi32, #tpu.memory_space<vmem>>, vector<16xi32>,
    }
    %scan3A_115 = arith.constant 26 : i32
    %dma_start3A_116 = arith.constant 0 : i32
    %dma_start3A_117 = arith.constant 0 : i32
    %dma_start3A_118 = tpu.memref_slice %arg3[%dma_start3A_116, %dma_start3A_117] : memref<163072x16xf32, #tpu.memory_space<hbm>> -> memref<163072x16xf32, #tpu.memory_space<hbm>>
    tpu.enqueue_indirect_dma source(%dma_start3A_118 : memref<163072x16xf32, #tpu.memory_space<hbm>>) target(%arg15 : memref<416x16xf32, #tpu.memory_space<vmem>>) offsets(%arg13 : memref<416xi32, #tpu.memory_space<vmem>>) semaphore(%arg18 : memref<!tpu.dma_semaphore, #tpu.memory_space<semaphore_mem>>)
    %multiple_of3A_119 = arith.constant 32 : i32
    %multiple_of3A_120 = tpu.assume_multiple %multiple_of3A_119, 16 : i32
    %add3A_121 = vector.broadcast %multiple_of3A_120 : i32 to vector<16xi32>
    %add3A_122 = arith.addi %add3A_121, %iota3A : vector<16xi32>
    %dma_wait3A_123 = arith.constant 0 : i32
    %dma_wait3A_124 = arith.constant 0 : i32
    %dma_wait3A_125 = tpu.memref_slice %arg3[%dma_wait3A_123, %dma_wait3A_124] : memref<163072x16xf32, #tpu.memory_space<hbm>> -> memref<163072x16xf32, #tpu.memory_space<hbm>>
    tpu.wait_indirect_dma semaphore(%arg17 : memref<!tpu.dma_semaphore, #tpu.memory_space<semaphore_mem>>) src(%dma_wait3A_125 : memref<163072x16xf32, #tpu.memory_space<hbm>>) dst(%arg14 : memref<416x16xf32, #tpu.memory_space<vmem>>)
    %broadcast_in_dim3A_126 = arith.constant 0.000000e+00 : f32
    %broadcast_in_dim3A_127 = vector.broadcast %broadcast_in_dim3A_126 : f32 to vector<16xf32>
    %scan3A_128 = arith.constant 0 : i32
    %scan3A_129 = arith.constant 26 : i32
    %scan3A_130 = arith.addi %scan3A_128, %scan3A_129 : i32
    %scan3A_131 = arith.constant 1 : i32
    %scan3A_132 = scf.for %scan3A_403 = %scan3A_128 to %scan3A_130 step %scan3A_131 iter_args(%scan3A_404 = %broadcast_in_dim3A_127) -> (vector<16xf32>)  : i32 {
      %broadcast_in_dim3A_405 = vector.broadcast %scan3A_403 : i32 to vector<16xi32>
      %gather3A = tpu.vector_load_idx %arg8[%broadcast_in_dim3A_405, %add3A_122] : memref<76x128xi32, #tpu.memory_space<vmem>>[vector<16xi32>, vector<16xi32>], vector<16xi32>,
      %mul3A_406 = arith.constant 16 : i32
      %mul3A_407 = arith.muli %scan3A_403, %mul3A_406 : i32
      %add3A_408 = vector.broadcast %mul3A_407 : i32 to vector<16xi32>
      %add3A_409 = arith.addi %add3A_408, %iota3A : vector<16xi32>
      %and3A = arith.constant 15 : i32
      %and3A_410 = vector.broadcast %and3A : i32 to vector<16xi32>
      %and3A_411 = arith.andi %gather3A, %and3A_410 : vector<16xi32>
      %gather3A_412 = tpu.vector_load_idx %arg14[%add3A_409, %and3A_411] : memref<416x16xf32, #tpu.memory_space<vmem>>[vector<16xi32>, vector<16xi32>], vector<16xf32>,
      %add3A_413 = arith.addf %scan3A_404, %gather3A_412 : vector<16xf32>
      scf.yield %add3A_413 : vector<16xf32>
    }
    %scan3A_133 = arith.constant 26 : i32
    %get3A_134 = arith.index_cast %multiple_of3A_120 : i32 to index
    %get3A_135 = tpu.vector_load %arg11[%get3A_134] {strides = array<i32>} : memref<128xf32, #tpu.memory_space<vmem>>, vector<16xf32>,
    %sub3A_136 = arith.constant 5.000000e+01 : f32
    %sub3A_137 = vector.broadcast %sub3A_136 : f32 to vector<16xf32>
    %sub3A_138 = arith.subf %sub3A_137, %get3A_135 : vector<16xf32>
    %get3A_139 = arith.index_cast %multiple_of3A_120 : i32 to index
    %get3A_140 = tpu.vector_load %arg10[%get3A_139] {strides = array<i32>} : memref<128xf32, #tpu.memory_space<vmem>>, vector<16xf32>,
    %add3A_141 = arith.constant 9.99999993E-9 : f32
    %add3A_142 = vector.broadcast %add3A_141 : f32 to vector<16xf32>
    %add3A_143 = arith.addf %sub3A_138, %add3A_142 : vector<16xf32>
    %div3A_144 = arith.divf %get3A_140, %add3A_143 : vector<16xf32>
    %add3A_145 = arith.addf %scan3A_132, %div3A_144 : vector<16xf32>
    %add3A_146 = arith.addf %add3A_145, %get3A_3 : vector<16xf32>
    %neg3A_147 = arith.constant 0.000000e+00 : f32
    %neg3A_148 = vector.broadcast %neg3A_147 : f32 to vector<16xf32>
    %neg3A_149 = arith.subf %neg3A_148, %add3A_146 : vector<16xf32>
    %exp3A_150 = math.exp %neg3A_149 : vector<16xf32>
    %add3A_151 = arith.constant 1.000000e+00 : f32
    %add3A_152 = vector.broadcast %add3A_151 : f32 to vector<16xf32>
    %add3A_153 = arith.addf %add3A_152, %exp3A_150 : vector<16xf32>
    %div3A_154 = arith.constant 1.000000e+00 : f32
    %div3A_155 = vector.broadcast %div3A_154 : f32 to vector<16xf32>
    %div3A_156 = arith.divf %div3A_155, %add3A_153 : vector<16xf32>
    %swap3A_157 = arith.index_cast %multiple_of3A_120 : i32 to index
    %swap3A_158 = tpu.vector_load %arg16[%swap3A_157] {strides = array<i32>} : memref<128xf32, #tpu.memory_space<vmem>>, vector<16xf32>,
    tpu.vector_store %arg16[%swap3A_157], %div3A_156 {strides = array<i32>} : memref<128xf32, #tpu.memory_space<vmem>>, vector<16xf32>,
    %add3A_159 = arith.constant 64 : i32
    %add3A_160 = vector.broadcast %add3A_159 : i32 to vector<16xi32>
    %add3A_161 = arith.addi %add3A_160, %iota3A : vector<16xi32>
    %scan3A_162 = arith.constant 0 : i32
    %scan3A_163 = arith.constant 26 : i32
    %scan3A_164 = arith.addi %scan3A_162, %scan3A_163 : i32
    %scan3A_165 = arith.constant 1 : i32
    scf.for %scan3A_403 = %scan3A_162 to %scan3A_164 step %scan3A_165  : i32 {
      %broadcast_in_dim3A_404 = vector.broadcast %scan3A_403 : i32 to vector<16xi32>
      %gather3A = tpu.vector_load_idx %arg8[%broadcast_in_dim3A_404, %add3A_161] : memref<76x128xi32, #tpu.memory_space<vmem>>[vector<16xi32>, vector<16xi32>], vector<16xi32>,
      %mul3A_405 = arith.constant 6272 : i32
      %mul3A_406 = arith.muli %scan3A_403, %mul3A_405 : i32
      %shift_right_logical3A = arith.constant 4 : i32
      %shift_right_logical3A_407 = vector.broadcast %shift_right_logical3A : i32 to vector<16xi32>
      %shift_right_logical3A_408 = arith.shrui %gather3A, %shift_right_logical3A_407 : vector<16xi32>
      %add3A_409 = vector.broadcast %mul3A_406 : i32 to vector<16xi32>
      %add3A_410 = arith.addi %add3A_409, %shift_right_logical3A_408 : vector<16xi32>
      %mul3A_411 = arith.constant 16 : i32
      %mul3A_412 = arith.muli %scan3A_403, %mul3A_411 : i32
      %multiple_of3A_413 = tpu.assume_multiple %mul3A_412, 16 : i32
      %swap3A_414 = arith.index_cast %multiple_of3A_413 : i32 to index
      %swap3A_415 = tpu.vector_load %arg12[%swap3A_414] {strides = array<i32>} : memref<416xi32, #tpu.memory_space<vmem>>, vector<16xi32>,
      tpu.vector_store %arg12[%swap3A_414], %add3A_410 {strides = array<i32>} : memref<416xi32, #tpu.memory_space<vmem>>, vector<16xi32>,
    }
    %scan3A_166 = arith.constant 26 : i32
    %dma_start3A_167 = arith.constant 0 : i32
    %dma_start3A_168 = arith.constant 0 : i32
    %dma_start3A_169 = tpu.memref_slice %arg3[%dma_start3A_167, %dma_start3A_168] : memref<163072x16xf32, #tpu.memory_space<hbm>> -> memref<163072x16xf32, #tpu.memory_space<hbm>>
    tpu.enqueue_indirect_dma source(%dma_start3A_169 : memref<163072x16xf32, #tpu.memory_space<hbm>>) target(%arg14 : memref<416x16xf32, #tpu.memory_space<vmem>>) offsets(%arg12 : memref<416xi32, #tpu.memory_space<vmem>>) semaphore(%arg17 : memref<!tpu.dma_semaphore, #tpu.memory_space<semaphore_mem>>)
    %multiple_of3A_170 = arith.constant 48 : i32
    %multiple_of3A_171 = tpu.assume_multiple %multiple_of3A_170, 16 : i32
    %add3A_172 = vector.broadcast %multiple_of3A_171 : i32 to vector<16xi32>
    %add3A_173 = arith.addi %add3A_172, %iota3A : vector<16xi32>
    %dma_wait3A_174 = arith.constant 0 : i32
    %dma_wait3A_175 = arith.constant 0 : i32
    %dma_wait3A_176 = tpu.memref_slice %arg3[%dma_wait3A_174, %dma_wait3A_175] : memref<163072x16xf32, #tpu.memory_space<hbm>> -> memref<163072x16xf32, #tpu.memory_space<hbm>>
    tpu.wait_indirect_dma semaphore(%arg18 : memref<!tpu.dma_semaphore, #tpu.memory_space<semaphore_mem>>) src(%dma_wait3A_176 : memref<163072x16xf32, #tpu.memory_space<hbm>>) dst(%arg15 : memref<416x16xf32, #tpu.memory_space<vmem>>)
    %broadcast_in_dim3A_177 = arith.constant 0.000000e+00 : f32
    %broadcast_in_dim3A_178 = vector.broadcast %broadcast_in_dim3A_177 : f32 to vector<16xf32>
    %scan3A_179 = arith.constant 0 : i32
    %scan3A_180 = arith.constant 26 : i32
    %scan3A_181 = arith.addi %scan3A_179, %scan3A_180 : i32
    %scan3A_182 = arith.constant 1 : i32
    %scan3A_183 = scf.for %scan3A_403 = %scan3A_179 to %scan3A_181 step %scan3A_182 iter_args(%scan3A_404 = %broadcast_in_dim3A_178) -> (vector<16xf32>)  : i32 {
      %broadcast_in_dim3A_405 = vector.broadcast %scan3A_403 : i32 to vector<16xi32>
      %gather3A = tpu.vector_load_idx %arg8[%broadcast_in_dim3A_405, %add3A_173] : memref<76x128xi32, #tpu.memory_space<vmem>>[vector<16xi32>, vector<16xi32>], vector<16xi32>,
      %mul3A_406 = arith.constant 16 : i32
      %mul3A_407 = arith.muli %scan3A_403, %mul3A_406 : i32
      %add3A_408 = vector.broadcast %mul3A_407 : i32 to vector<16xi32>
      %add3A_409 = arith.addi %add3A_408, %iota3A : vector<16xi32>
      %and3A = arith.constant 15 : i32
      %and3A_410 = vector.broadcast %and3A : i32 to vector<16xi32>
      %and3A_411 = arith.andi %gather3A, %and3A_410 : vector<16xi32>
      %gather3A_412 = tpu.vector_load_idx %arg15[%add3A_409, %and3A_411] : memref<416x16xf32, #tpu.memory_space<vmem>>[vector<16xi32>, vector<16xi32>], vector<16xf32>,
      %add3A_413 = arith.addf %scan3A_404, %gather3A_412 : vector<16xf32>
      scf.yield %add3A_413 : vector<16xf32>
    }
    %scan3A_184 = arith.constant 26 : i32
    %get3A_185 = arith.index_cast %multiple_of3A_171 : i32 to index
    %get3A_186 = tpu.vector_load %arg11[%get3A_185] {strides = array<i32>} : memref<128xf32, #tpu.memory_space<vmem>>, vector<16xf32>,
    %sub3A_187 = arith.constant 5.000000e+01 : f32
    %sub3A_188 = vector.broadcast %sub3A_187 : f32 to vector<16xf32>
    %sub3A_189 = arith.subf %sub3A_188, %get3A_186 : vector<16xf32>
    %get3A_190 = arith.index_cast %multiple_of3A_171 : i32 to index
    %get3A_191 = tpu.vector_load %arg10[%get3A_190] {strides = array<i32>} : memref<128xf32, #tpu.memory_space<vmem>>, vector<16xf32>,
    %add3A_192 = arith.constant 9.99999993E-9 : f32
    %add3A_193 = vector.broadcast %add3A_192 : f32 to vector<16xf32>
    %add3A_194 = arith.addf %sub3A_189, %add3A_193 : vector<16xf32>
    %div3A_195 = arith.divf %get3A_191, %add3A_194 : vector<16xf32>
    %add3A_196 = arith.addf %scan3A_183, %div3A_195 : vector<16xf32>
    %add3A_197 = arith.addf %add3A_196, %get3A_3 : vector<16xf32>
    %neg3A_198 = arith.constant 0.000000e+00 : f32
    %neg3A_199 = vector.broadcast %neg3A_198 : f32 to vector<16xf32>
    %neg3A_200 = arith.subf %neg3A_199, %add3A_197 : vector<16xf32>
    %exp3A_201 = math.exp %neg3A_200 : vector<16xf32>
    %add3A_202 = arith.constant 1.000000e+00 : f32
    %add3A_203 = vector.broadcast %add3A_202 : f32 to vector<16xf32>
    %add3A_204 = arith.addf %add3A_203, %exp3A_201 : vector<16xf32>
    %div3A_205 = arith.constant 1.000000e+00 : f32
    %div3A_206 = vector.broadcast %div3A_205 : f32 to vector<16xf32>
    %div3A_207 = arith.divf %div3A_206, %add3A_204 : vector<16xf32>
    %swap3A_208 = arith.index_cast %multiple_of3A_171 : i32 to index
    %swap3A_209 = tpu.vector_load %arg16[%swap3A_208] {strides = array<i32>} : memref<128xf32, #tpu.memory_space<vmem>>, vector<16xf32>,
    tpu.vector_store %arg16[%swap3A_208], %div3A_207 {strides = array<i32>} : memref<128xf32, #tpu.memory_space<vmem>>, vector<16xf32>,
    %add3A_210 = arith.constant 80 : i32
    %add3A_211 = vector.broadcast %add3A_210 : i32 to vector<16xi32>
    %add3A_212 = arith.addi %add3A_211, %iota3A : vector<16xi32>
    %scan3A_213 = arith.constant 0 : i32
    %scan3A_214 = arith.constant 26 : i32
    %scan3A_215 = arith.addi %scan3A_213, %scan3A_214 : i32
    %scan3A_216 = arith.constant 1 : i32
    scf.for %scan3A_403 = %scan3A_213 to %scan3A_215 step %scan3A_216  : i32 {
      %broadcast_in_dim3A_404 = vector.broadcast %scan3A_403 : i32 to vector<16xi32>
      %gather3A = tpu.vector_load_idx %arg8[%broadcast_in_dim3A_404, %add3A_212] : memref<76x128xi32, #tpu.memory_space<vmem>>[vector<16xi32>, vector<16xi32>], vector<16xi32>,
      %mul3A_405 = arith.constant 6272 : i32
      %mul3A_406 = arith.muli %scan3A_403, %mul3A_405 : i32
      %shift_right_logical3A = arith.constant 4 : i32
      %shift_right_logical3A_407 = vector.broadcast %shift_right_logical3A : i32 to vector<16xi32>
      %shift_right_logical3A_408 = arith.shrui %gather3A, %shift_right_logical3A_407 : vector<16xi32>
      %add3A_409 = vector.broadcast %mul3A_406 : i32 to vector<16xi32>
      %add3A_410 = arith.addi %add3A_409, %shift_right_logical3A_408 : vector<16xi32>
      %mul3A_411 = arith.constant 16 : i32
      %mul3A_412 = arith.muli %scan3A_403, %mul3A_411 : i32
      %multiple_of3A_413 = tpu.assume_multiple %mul3A_412, 16 : i32
      %swap3A_414 = arith.index_cast %multiple_of3A_413 : i32 to index
      %swap3A_415 = tpu.vector_load %arg13[%swap3A_414] {strides = array<i32>} : memref<416xi32, #tpu.memory_space<vmem>>, vector<16xi32>,
      tpu.vector_store %arg13[%swap3A_414], %add3A_410 {strides = array<i32>} : memref<416xi32, #tpu.memory_space<vmem>>, vector<16xi32>,
    }
    %scan3A_217 = arith.constant 26 : i32
    %dma_start3A_218 = arith.constant 0 : i32
    %dma_start3A_219 = arith.constant 0 : i32
    %dma_start3A_220 = tpu.memref_slice %arg3[%dma_start3A_218, %dma_start3A_219] : memref<163072x16xf32, #tpu.memory_space<hbm>> -> memref<163072x16xf32, #tpu.memory_space<hbm>>
    tpu.enqueue_indirect_dma source(%dma_start3A_220 : memref<163072x16xf32, #tpu.memory_space<hbm>>) target(%arg15 : memref<416x16xf32, #tpu.memory_space<vmem>>) offsets(%arg13 : memref<416xi32, #tpu.memory_space<vmem>>) semaphore(%arg18 : memref<!tpu.dma_semaphore, #tpu.memory_space<semaphore_mem>>)
    %multiple_of3A_221 = arith.constant 64 : i32
    %multiple_of3A_222 = tpu.assume_multiple %multiple_of3A_221, 16 : i32
    %add3A_223 = vector.broadcast %multiple_of3A_222 : i32 to vector<16xi32>
    %add3A_224 = arith.addi %add3A_223, %iota3A : vector<16xi32>
    %dma_wait3A_225 = arith.constant 0 : i32
    %dma_wait3A_226 = arith.constant 0 : i32
    %dma_wait3A_227 = tpu.memref_slice %arg3[%dma_wait3A_225, %dma_wait3A_226] : memref<163072x16xf32, #tpu.memory_space<hbm>> -> memref<163072x16xf32, #tpu.memory_space<hbm>>
    tpu.wait_indirect_dma semaphore(%arg17 : memref<!tpu.dma_semaphore, #tpu.memory_space<semaphore_mem>>) src(%dma_wait3A_227 : memref<163072x16xf32, #tpu.memory_space<hbm>>) dst(%arg14 : memref<416x16xf32, #tpu.memory_space<vmem>>)
    %broadcast_in_dim3A_228 = arith.constant 0.000000e+00 : f32
    %broadcast_in_dim3A_229 = vector.broadcast %broadcast_in_dim3A_228 : f32 to vector<16xf32>
    %scan3A_230 = arith.constant 0 : i32
    %scan3A_231 = arith.constant 26 : i32
    %scan3A_232 = arith.addi %scan3A_230, %scan3A_231 : i32
    %scan3A_233 = arith.constant 1 : i32
    %scan3A_234 = scf.for %scan3A_403 = %scan3A_230 to %scan3A_232 step %scan3A_233 iter_args(%scan3A_404 = %broadcast_in_dim3A_229) -> (vector<16xf32>)  : i32 {
      %broadcast_in_dim3A_405 = vector.broadcast %scan3A_403 : i32 to vector<16xi32>
      %gather3A = tpu.vector_load_idx %arg8[%broadcast_in_dim3A_405, %add3A_224] : memref<76x128xi32, #tpu.memory_space<vmem>>[vector<16xi32>, vector<16xi32>], vector<16xi32>,
      %mul3A_406 = arith.constant 16 : i32
      %mul3A_407 = arith.muli %scan3A_403, %mul3A_406 : i32
      %add3A_408 = vector.broadcast %mul3A_407 : i32 to vector<16xi32>
      %add3A_409 = arith.addi %add3A_408, %iota3A : vector<16xi32>
      %and3A = arith.constant 15 : i32
      %and3A_410 = vector.broadcast %and3A : i32 to vector<16xi32>
      %and3A_411 = arith.andi %gather3A, %and3A_410 : vector<16xi32>
      %gather3A_412 = tpu.vector_load_idx %arg14[%add3A_409, %and3A_411] : memref<416x16xf32, #tpu.memory_space<vmem>>[vector<16xi32>, vector<16xi32>], vector<16xf32>,
      %add3A_413 = arith.addf %scan3A_404, %gather3A_412 : vector<16xf32>
      scf.yield %add3A_413 : vector<16xf32>
    }
    %scan3A_235 = arith.constant 26 : i32
    %get3A_236 = arith.index_cast %multiple_of3A_222 : i32 to index
    %get3A_237 = tpu.vector_load %arg11[%get3A_236] {strides = array<i32>} : memref<128xf32, #tpu.memory_space<vmem>>, vector<16xf32>,
    %sub3A_238 = arith.constant 5.000000e+01 : f32
    %sub3A_239 = vector.broadcast %sub3A_238 : f32 to vector<16xf32>
    %sub3A_240 = arith.subf %sub3A_239, %get3A_237 : vector<16xf32>
    %get3A_241 = arith.index_cast %multiple_of3A_222 : i32 to index
    %get3A_242 = tpu.vector_load %arg10[%get3A_241] {strides = array<i32>} : memref<128xf32, #tpu.memory_space<vmem>>, vector<16xf32>,
    %add3A_243 = arith.constant 9.99999993E-9 : f32
    %add3A_244 = vector.broadcast %add3A_243 : f32 to vector<16xf32>
    %add3A_245 = arith.addf %sub3A_240, %add3A_244 : vector<16xf32>
    %div3A_246 = arith.divf %get3A_242, %add3A_245 : vector<16xf32>
    %add3A_247 = arith.addf %scan3A_234, %div3A_246 : vector<16xf32>
    %add3A_248 = arith.addf %add3A_247, %get3A_3 : vector<16xf32>
    %neg3A_249 = arith.constant 0.000000e+00 : f32
    %neg3A_250 = vector.broadcast %neg3A_249 : f32 to vector<16xf32>
    %neg3A_251 = arith.subf %neg3A_250, %add3A_248 : vector<16xf32>
    %exp3A_252 = math.exp %neg3A_251 : vector<16xf32>
    %add3A_253 = arith.constant 1.000000e+00 : f32
    %add3A_254 = vector.broadcast %add3A_253 : f32 to vector<16xf32>
    %add3A_255 = arith.addf %add3A_254, %exp3A_252 : vector<16xf32>
    %div3A_256 = arith.constant 1.000000e+00 : f32
    %div3A_257 = vector.broadcast %div3A_256 : f32 to vector<16xf32>
    %div3A_258 = arith.divf %div3A_257, %add3A_255 : vector<16xf32>
    %swap3A_259 = arith.index_cast %multiple_of3A_222 : i32 to index
    %swap3A_260 = tpu.vector_load %arg16[%swap3A_259] {strides = array<i32>} : memref<128xf32, #tpu.memory_space<vmem>>, vector<16xf32>,
    tpu.vector_store %arg16[%swap3A_259], %div3A_258 {strides = array<i32>} : memref<128xf32, #tpu.memory_space<vmem>>, vector<16xf32>,
    %add3A_261 = arith.constant 96 : i32
    %add3A_262 = vector.broadcast %add3A_261 : i32 to vector<16xi32>
    %add3A_263 = arith.addi %add3A_262, %iota3A : vector<16xi32>
    %scan3A_264 = arith.constant 0 : i32
    %scan3A_265 = arith.constant 26 : i32
    %scan3A_266 = arith.addi %scan3A_264, %scan3A_265 : i32
    %scan3A_267 = arith.constant 1 : i32
    scf.for %scan3A_403 = %scan3A_264 to %scan3A_266 step %scan3A_267  : i32 {
      %broadcast_in_dim3A_404 = vector.broadcast %scan3A_403 : i32 to vector<16xi32>
      %gather3A = tpu.vector_load_idx %arg8[%broadcast_in_dim3A_404, %add3A_263] : memref<76x128xi32, #tpu.memory_space<vmem>>[vector<16xi32>, vector<16xi32>], vector<16xi32>,
      %mul3A_405 = arith.constant 6272 : i32
      %mul3A_406 = arith.muli %scan3A_403, %mul3A_405 : i32
      %shift_right_logical3A = arith.constant 4 : i32
      %shift_right_logical3A_407 = vector.broadcast %shift_right_logical3A : i32 to vector<16xi32>
      %shift_right_logical3A_408 = arith.shrui %gather3A, %shift_right_logical3A_407 : vector<16xi32>
      %add3A_409 = vector.broadcast %mul3A_406 : i32 to vector<16xi32>
      %add3A_410 = arith.addi %add3A_409, %shift_right_logical3A_408 : vector<16xi32>
      %mul3A_411 = arith.constant 16 : i32
      %mul3A_412 = arith.muli %scan3A_403, %mul3A_411 : i32
      %multiple_of3A_413 = tpu.assume_multiple %mul3A_412, 16 : i32
      %swap3A_414 = arith.index_cast %multiple_of3A_413 : i32 to index
      %swap3A_415 = tpu.vector_load %arg12[%swap3A_414] {strides = array<i32>} : memref<416xi32, #tpu.memory_space<vmem>>, vector<16xi32>,
      tpu.vector_store %arg12[%swap3A_414], %add3A_410 {strides = array<i32>} : memref<416xi32, #tpu.memory_space<vmem>>, vector<16xi32>,
    }
    %scan3A_268 = arith.constant 26 : i32
    %dma_start3A_269 = arith.constant 0 : i32
    %dma_start3A_270 = arith.constant 0 : i32
    %dma_start3A_271 = tpu.memref_slice %arg3[%dma_start3A_269, %dma_start3A_270] : memref<163072x16xf32, #tpu.memory_space<hbm>> -> memref<163072x16xf32, #tpu.memory_space<hbm>>
    tpu.enqueue_indirect_dma source(%dma_start3A_271 : memref<163072x16xf32, #tpu.memory_space<hbm>>) target(%arg14 : memref<416x16xf32, #tpu.memory_space<vmem>>) offsets(%arg12 : memref<416xi32, #tpu.memory_space<vmem>>) semaphore(%arg17 : memref<!tpu.dma_semaphore, #tpu.memory_space<semaphore_mem>>)
    %multiple_of3A_272 = arith.constant 80 : i32
    %multiple_of3A_273 = tpu.assume_multiple %multiple_of3A_272, 16 : i32
    %add3A_274 = vector.broadcast %multiple_of3A_273 : i32 to vector<16xi32>
    %add3A_275 = arith.addi %add3A_274, %iota3A : vector<16xi32>
    %dma_wait3A_276 = arith.constant 0 : i32
    %dma_wait3A_277 = arith.constant 0 : i32
    %dma_wait3A_278 = tpu.memref_slice %arg3[%dma_wait3A_276, %dma_wait3A_277] : memref<163072x16xf32, #tpu.memory_space<hbm>> -> memref<163072x16xf32, #tpu.memory_space<hbm>>
    tpu.wait_indirect_dma semaphore(%arg18 : memref<!tpu.dma_semaphore, #tpu.memory_space<semaphore_mem>>) src(%dma_wait3A_278 : memref<163072x16xf32, #tpu.memory_space<hbm>>) dst(%arg15 : memref<416x16xf32, #tpu.memory_space<vmem>>)
    %broadcast_in_dim3A_279 = arith.constant 0.000000e+00 : f32
    %broadcast_in_dim3A_280 = vector.broadcast %broadcast_in_dim3A_279 : f32 to vector<16xf32>
    %scan3A_281 = arith.constant 0 : i32
    %scan3A_282 = arith.constant 26 : i32
    %scan3A_283 = arith.addi %scan3A_281, %scan3A_282 : i32
    %scan3A_284 = arith.constant 1 : i32
    %scan3A_285 = scf.for %scan3A_403 = %scan3A_281 to %scan3A_283 step %scan3A_284 iter_args(%scan3A_404 = %broadcast_in_dim3A_280) -> (vector<16xf32>)  : i32 {
      %broadcast_in_dim3A_405 = vector.broadcast %scan3A_403 : i32 to vector<16xi32>
      %gather3A = tpu.vector_load_idx %arg8[%broadcast_in_dim3A_405, %add3A_275] : memref<76x128xi32, #tpu.memory_space<vmem>>[vector<16xi32>, vector<16xi32>], vector<16xi32>,
      %mul3A_406 = arith.constant 16 : i32
      %mul3A_407 = arith.muli %scan3A_403, %mul3A_406 : i32
      %add3A_408 = vector.broadcast %mul3A_407 : i32 to vector<16xi32>
      %add3A_409 = arith.addi %add3A_408, %iota3A : vector<16xi32>
      %and3A = arith.constant 15 : i32
      %and3A_410 = vector.broadcast %and3A : i32 to vector<16xi32>
      %and3A_411 = arith.andi %gather3A, %and3A_410 : vector<16xi32>
      %gather3A_412 = tpu.vector_load_idx %arg15[%add3A_409, %and3A_411] : memref<416x16xf32, #tpu.memory_space<vmem>>[vector<16xi32>, vector<16xi32>], vector<16xf32>,
      %add3A_413 = arith.addf %scan3A_404, %gather3A_412 : vector<16xf32>
      scf.yield %add3A_413 : vector<16xf32>
    }
    %scan3A_286 = arith.constant 26 : i32
    %get3A_287 = arith.index_cast %multiple_of3A_273 : i32 to index
    %get3A_288 = tpu.vector_load %arg11[%get3A_287] {strides = array<i32>} : memref<128xf32, #tpu.memory_space<vmem>>, vector<16xf32>,
    %sub3A_289 = arith.constant 5.000000e+01 : f32
    %sub3A_290 = vector.broadcast %sub3A_289 : f32 to vector<16xf32>
    %sub3A_291 = arith.subf %sub3A_290, %get3A_288 : vector<16xf32>
    %get3A_292 = arith.index_cast %multiple_of3A_273 : i32 to index
    %get3A_293 = tpu.vector_load %arg10[%get3A_292] {strides = array<i32>} : memref<128xf32, #tpu.memory_space<vmem>>, vector<16xf32>,
    %add3A_294 = arith.constant 9.99999993E-9 : f32
    %add3A_295 = vector.broadcast %add3A_294 : f32 to vector<16xf32>
    %add3A_296 = arith.addf %sub3A_291, %add3A_295 : vector<16xf32>
    %div3A_297 = arith.divf %get3A_293, %add3A_296 : vector<16xf32>
    %add3A_298 = arith.addf %scan3A_285, %div3A_297 : vector<16xf32>
    %add3A_299 = arith.addf %add3A_298, %get3A_3 : vector<16xf32>
    %neg3A_300 = arith.constant 0.000000e+00 : f32
    %neg3A_301 = vector.broadcast %neg3A_300 : f32 to vector<16xf32>
    %neg3A_302 = arith.subf %neg3A_301, %add3A_299 : vector<16xf32>
    %exp3A_303 = math.exp %neg3A_302 : vector<16xf32>
    %add3A_304 = arith.constant 1.000000e+00 : f32
    %add3A_305 = vector.broadcast %add3A_304 : f32 to vector<16xf32>
    %add3A_306 = arith.addf %add3A_305, %exp3A_303 : vector<16xf32>
    %div3A_307 = arith.constant 1.000000e+00 : f32
    %div3A_308 = vector.broadcast %div3A_307 : f32 to vector<16xf32>
    %div3A_309 = arith.divf %div3A_308, %add3A_306 : vector<16xf32>
    %swap3A_310 = arith.index_cast %multiple_of3A_273 : i32 to index
    %swap3A_311 = tpu.vector_load %arg16[%swap3A_310] {strides = array<i32>} : memref<128xf32, #tpu.memory_space<vmem>>, vector<16xf32>,
    tpu.vector_store %arg16[%swap3A_310], %div3A_309 {strides = array<i32>} : memref<128xf32, #tpu.memory_space<vmem>>, vector<16xf32>,
    %add3A_312 = arith.constant 112 : i32
    %add3A_313 = vector.broadcast %add3A_312 : i32 to vector<16xi32>
    %add3A_314 = arith.addi %add3A_313, %iota3A : vector<16xi32>
    %scan3A_315 = arith.constant 0 : i32
    %scan3A_316 = arith.constant 26 : i32
    %scan3A_317 = arith.addi %scan3A_315, %scan3A_316 : i32
    %scan3A_318 = arith.constant 1 : i32
    scf.for %scan3A_403 = %scan3A_315 to %scan3A_317 step %scan3A_318  : i32 {
      %broadcast_in_dim3A_404 = vector.broadcast %scan3A_403 : i32 to vector<16xi32>
      %gather3A = tpu.vector_load_idx %arg8[%broadcast_in_dim3A_404, %add3A_314] : memref<76x128xi32, #tpu.memory_space<vmem>>[vector<16xi32>, vector<16xi32>], vector<16xi32>,
      %mul3A_405 = arith.constant 6272 : i32
      %mul3A_406 = arith.muli %scan3A_403, %mul3A_405 : i32
      %shift_right_logical3A = arith.constant 4 : i32
      %shift_right_logical3A_407 = vector.broadcast %shift_right_logical3A : i32 to vector<16xi32>
      %shift_right_logical3A_408 = arith.shrui %gather3A, %shift_right_logical3A_407 : vector<16xi32>
      %add3A_409 = vector.broadcast %mul3A_406 : i32 to vector<16xi32>
      %add3A_410 = arith.addi %add3A_409, %shift_right_logical3A_408 : vector<16xi32>
      %mul3A_411 = arith.constant 16 : i32
      %mul3A_412 = arith.muli %scan3A_403, %mul3A_411 : i32
      %multiple_of3A_413 = tpu.assume_multiple %mul3A_412, 16 : i32
      %swap3A_414 = arith.index_cast %multiple_of3A_413 : i32 to index
      %swap3A_415 = tpu.vector_load %arg13[%swap3A_414] {strides = array<i32>} : memref<416xi32, #tpu.memory_space<vmem>>, vector<16xi32>,
      tpu.vector_store %arg13[%swap3A_414], %add3A_410 {strides = array<i32>} : memref<416xi32, #tpu.memory_space<vmem>>, vector<16xi32>,
    }
    %scan3A_319 = arith.constant 26 : i32
    %dma_start3A_320 = arith.constant 0 : i32
    %dma_start3A_321 = arith.constant 0 : i32
    %dma_start3A_322 = tpu.memref_slice %arg3[%dma_start3A_320, %dma_start3A_321] : memref<163072x16xf32, #tpu.memory_space<hbm>> -> memref<163072x16xf32, #tpu.memory_space<hbm>>
    tpu.enqueue_indirect_dma source(%dma_start3A_322 : memref<163072x16xf32, #tpu.memory_space<hbm>>) target(%arg15 : memref<416x16xf32, #tpu.memory_space<vmem>>) offsets(%arg13 : memref<416xi32, #tpu.memory_space<vmem>>) semaphore(%arg18 : memref<!tpu.dma_semaphore, #tpu.memory_space<semaphore_mem>>)
    %multiple_of3A_323 = arith.constant 96 : i32
    %multiple_of3A_324 = tpu.assume_multiple %multiple_of3A_323, 16 : i32
    %add3A_325 = vector.broadcast %multiple_of3A_324 : i32 to vector<16xi32>
    %add3A_326 = arith.addi %add3A_325, %iota3A : vector<16xi32>
    %dma_wait3A_327 = arith.constant 0 : i32
    %dma_wait3A_328 = arith.constant 0 : i32
    %dma_wait3A_329 = tpu.memref_slice %arg3[%dma_wait3A_327, %dma_wait3A_328] : memref<163072x16xf32, #tpu.memory_space<hbm>> -> memref<163072x16xf32, #tpu.memory_space<hbm>>
    tpu.wait_indirect_dma semaphore(%arg17 : memref<!tpu.dma_semaphore, #tpu.memory_space<semaphore_mem>>) src(%dma_wait3A_329 : memref<163072x16xf32, #tpu.memory_space<hbm>>) dst(%arg14 : memref<416x16xf32, #tpu.memory_space<vmem>>)
    %broadcast_in_dim3A_330 = arith.constant 0.000000e+00 : f32
    %broadcast_in_dim3A_331 = vector.broadcast %broadcast_in_dim3A_330 : f32 to vector<16xf32>
    %scan3A_332 = arith.constant 0 : i32
    %scan3A_333 = arith.constant 26 : i32
    %scan3A_334 = arith.addi %scan3A_332, %scan3A_333 : i32
    %scan3A_335 = arith.constant 1 : i32
    %scan3A_336 = scf.for %scan3A_403 = %scan3A_332 to %scan3A_334 step %scan3A_335 iter_args(%scan3A_404 = %broadcast_in_dim3A_331) -> (vector<16xf32>)  : i32 {
      %broadcast_in_dim3A_405 = vector.broadcast %scan3A_403 : i32 to vector<16xi32>
      %gather3A = tpu.vector_load_idx %arg8[%broadcast_in_dim3A_405, %add3A_326] : memref<76x128xi32, #tpu.memory_space<vmem>>[vector<16xi32>, vector<16xi32>], vector<16xi32>,
      %mul3A_406 = arith.constant 16 : i32
      %mul3A_407 = arith.muli %scan3A_403, %mul3A_406 : i32
      %add3A_408 = vector.broadcast %mul3A_407 : i32 to vector<16xi32>
      %add3A_409 = arith.addi %add3A_408, %iota3A : vector<16xi32>
      %and3A = arith.constant 15 : i32
      %and3A_410 = vector.broadcast %and3A : i32 to vector<16xi32>
      %and3A_411 = arith.andi %gather3A, %and3A_410 : vector<16xi32>
      %gather3A_412 = tpu.vector_load_idx %arg14[%add3A_409, %and3A_411] : memref<416x16xf32, #tpu.memory_space<vmem>>[vector<16xi32>, vector<16xi32>], vector<16xf32>,
      %add3A_413 = arith.addf %scan3A_404, %gather3A_412 : vector<16xf32>
      scf.yield %add3A_413 : vector<16xf32>
    }
    %scan3A_337 = arith.constant 26 : i32
    %get3A_338 = arith.index_cast %multiple_of3A_324 : i32 to index
    %get3A_339 = tpu.vector_load %arg11[%get3A_338] {strides = array<i32>} : memref<128xf32, #tpu.memory_space<vmem>>, vector<16xf32>,
    %sub3A_340 = arith.constant 5.000000e+01 : f32
    %sub3A_341 = vector.broadcast %sub3A_340 : f32 to vector<16xf32>
    %sub3A_342 = arith.subf %sub3A_341, %get3A_339 : vector<16xf32>
    %get3A_343 = arith.index_cast %multiple_of3A_324 : i32 to index
    %get3A_344 = tpu.vector_load %arg10[%get3A_343] {strides = array<i32>} : memref<128xf32, #tpu.memory_space<vmem>>, vector<16xf32>,
    %add3A_345 = arith.constant 9.99999993E-9 : f32
    %add3A_346 = vector.broadcast %add3A_345 : f32 to vector<16xf32>
    %add3A_347 = arith.addf %sub3A_342, %add3A_346 : vector<16xf32>
    %div3A_348 = arith.divf %get3A_344, %add3A_347 : vector<16xf32>
    %add3A_349 = arith.addf %scan3A_336, %div3A_348 : vector<16xf32>
    %add3A_350 = arith.addf %add3A_349, %get3A_3 : vector<16xf32>
    %neg3A_351 = arith.constant 0.000000e+00 : f32
    %neg3A_352 = vector.broadcast %neg3A_351 : f32 to vector<16xf32>
    %neg3A_353 = arith.subf %neg3A_352, %add3A_350 : vector<16xf32>
    %exp3A_354 = math.exp %neg3A_353 : vector<16xf32>
    %add3A_355 = arith.constant 1.000000e+00 : f32
    %add3A_356 = vector.broadcast %add3A_355 : f32 to vector<16xf32>
    %add3A_357 = arith.addf %add3A_356, %exp3A_354 : vector<16xf32>
    %div3A_358 = arith.constant 1.000000e+00 : f32
    %div3A_359 = vector.broadcast %div3A_358 : f32 to vector<16xf32>
    %div3A_360 = arith.divf %div3A_359, %add3A_357 : vector<16xf32>
    %swap3A_361 = arith.index_cast %multiple_of3A_324 : i32 to index
    %swap3A_362 = tpu.vector_load %arg16[%swap3A_361] {strides = array<i32>} : memref<128xf32, #tpu.memory_space<vmem>>, vector<16xf32>,
    tpu.vector_store %arg16[%swap3A_361], %div3A_360 {strides = array<i32>} : memref<128xf32, #tpu.memory_space<vmem>>, vector<16xf32>,
    %multiple_of3A_363 = arith.constant 112 : i32
    %multiple_of3A_364 = tpu.assume_multiple %multiple_of3A_363, 16 : i32
    %add3A_365 = vector.broadcast %multiple_of3A_364 : i32 to vector<16xi32>
    %add3A_366 = arith.addi %add3A_365, %iota3A : vector<16xi32>
    %dma_wait3A_367 = arith.constant 0 : i32
    %dma_wait3A_368 = arith.constant 0 : i32
    %dma_wait3A_369 = tpu.memref_slice %arg3[%dma_wait3A_367, %dma_wait3A_368] : memref<163072x16xf32, #tpu.memory_space<hbm>> -> memref<163072x16xf32, #tpu.memory_space<hbm>>
    tpu.wait_indirect_dma semaphore(%arg18 : memref<!tpu.dma_semaphore, #tpu.memory_space<semaphore_mem>>) src(%dma_wait3A_369 : memref<163072x16xf32, #tpu.memory_space<hbm>>) dst(%arg15 : memref<416x16xf32, #tpu.memory_space<vmem>>)
    %broadcast_in_dim3A_370 = arith.constant 0.000000e+00 : f32
    %broadcast_in_dim3A_371 = vector.broadcast %broadcast_in_dim3A_370 : f32 to vector<16xf32>
    %scan3A_372 = arith.constant 0 : i32
    %scan3A_373 = arith.constant 26 : i32
    %scan3A_374 = arith.addi %scan3A_372, %scan3A_373 : i32
    %scan3A_375 = arith.constant 1 : i32
    %scan3A_376 = scf.for %scan3A_403 = %scan3A_372 to %scan3A_374 step %scan3A_375 iter_args(%scan3A_404 = %broadcast_in_dim3A_371) -> (vector<16xf32>)  : i32 {
      %broadcast_in_dim3A_405 = vector.broadcast %scan3A_403 : i32 to vector<16xi32>
      %gather3A = tpu.vector_load_idx %arg8[%broadcast_in_dim3A_405, %add3A_366] : memref<76x128xi32, #tpu.memory_space<vmem>>[vector<16xi32>, vector<16xi32>], vector<16xi32>,
      %mul3A_406 = arith.constant 16 : i32
      %mul3A_407 = arith.muli %scan3A_403, %mul3A_406 : i32
      %add3A_408 = vector.broadcast %mul3A_407 : i32 to vector<16xi32>
      %add3A_409 = arith.addi %add3A_408, %iota3A : vector<16xi32>
      %and3A = arith.constant 15 : i32
      %and3A_410 = vector.broadcast %and3A : i32 to vector<16xi32>
      %and3A_411 = arith.andi %gather3A, %and3A_410 : vector<16xi32>
      %gather3A_412 = tpu.vector_load_idx %arg15[%add3A_409, %and3A_411] : memref<416x16xf32, #tpu.memory_space<vmem>>[vector<16xi32>, vector<16xi32>], vector<16xf32>,
      %add3A_413 = arith.addf %scan3A_404, %gather3A_412 : vector<16xf32>
      scf.yield %add3A_413 : vector<16xf32>
    }
    %scan3A_377 = arith.constant 26 : i32
    %get3A_378 = arith.index_cast %multiple_of3A_364 : i32 to index
    %get3A_379 = tpu.vector_load %arg11[%get3A_378] {strides = array<i32>} : memref<128xf32, #tpu.memory_space<vmem>>, vector<16xf32>,
    %sub3A_380 = arith.constant 5.000000e+01 : f32
    %sub3A_381 = vector.broadcast %sub3A_380 : f32 to vector<16xf32>
    %sub3A_382 = arith.subf %sub3A_381, %get3A_379 : vector<16xf32>
    %get3A_383 = arith.index_cast %multiple_of3A_364 : i32 to index
    %get3A_384 = tpu.vector_load %arg10[%get3A_383] {strides = array<i32>} : memref<128xf32, #tpu.memory_space<vmem>>, vector<16xf32>,
    %add3A_385 = arith.constant 9.99999993E-9 : f32
    %add3A_386 = vector.broadcast %add3A_385 : f32 to vector<16xf32>
    %add3A_387 = arith.addf %sub3A_382, %add3A_386 : vector<16xf32>
    %div3A_388 = arith.divf %get3A_384, %add3A_387 : vector<16xf32>
    %add3A_389 = arith.addf %scan3A_376, %div3A_388 : vector<16xf32>
    %add3A_390 = arith.addf %add3A_389, %get3A_3 : vector<16xf32>
    %neg3A_391 = arith.constant 0.000000e+00 : f32
    %neg3A_392 = vector.broadcast %neg3A_391 : f32 to vector<16xf32>
    %neg3A_393 = arith.subf %neg3A_392, %add3A_390 : vector<16xf32>
    %exp3A_394 = math.exp %neg3A_393 : vector<16xf32>
    %add3A_395 = arith.constant 1.000000e+00 : f32
    %add3A_396 = vector.broadcast %add3A_395 : f32 to vector<16xf32>
    %add3A_397 = arith.addf %add3A_396, %exp3A_394 : vector<16xf32>
    %div3A_398 = arith.constant 1.000000e+00 : f32
    %div3A_399 = vector.broadcast %div3A_398 : f32 to vector<16xf32>
    %div3A_400 = arith.divf %div3A_399, %add3A_397 : vector<16xf32>
    %swap3A_401 = arith.index_cast %multiple_of3A_364 : i32 to index
    %swap3A_402 = tpu.vector_load %arg16[%swap3A_401] {strides = array<i32>} : memref<128xf32, #tpu.memory_space<vmem>>, vector<16xf32>,
    tpu.vector_store %arg16[%swap3A_401], %div3A_400 {strides = array<i32>} : memref<128xf32, #tpu.memory_space<vmem>>, vector<16xf32>,
    "tpu.region"() ({
      %run_scoped3A = tpu.sem_alloc : memref<!tpu.dma_semaphore, #tpu.memory_space<semaphore_mem>>
      %dma_start3A_403 = tpu.memref_slice %arg7[%multiple_of3A] : memref<4096xf32, #tpu.memory_space<hbm>> -> memref<128xf32, #tpu.memory_space<hbm>>
      %dma_start3A_404 = tpu.memref_slice %arg7[%multiple_of3A] : memref<4096xf32, #tpu.memory_space<hbm>> -> memref<128xf32, #tpu.memory_space<hbm>>
      tpu.enqueue_dma source(%arg16 : memref<128xf32, #tpu.memory_space<vmem>>) target(%dma_start3A_404 : memref<128xf32, #tpu.memory_space<hbm>>) target_semaphore(%run_scoped3A : memref<!tpu.dma_semaphore, #tpu.memory_space<semaphore_mem>>)
      %dma_wait3A_405 = tpu.memref_slice %arg7[%multiple_of3A] : memref<4096xf32, #tpu.memory_space<hbm>> -> memref<128xf32, #tpu.memory_space<hbm>>
      %dma_wait3A_406 = tpu.memref_slice %arg7[%multiple_of3A] : memref<4096xf32, #tpu.memory_space<hbm>> -> memref<128xf32, #tpu.memory_space<hbm>>
      tpu.wait_dma2 semaphore(%run_scoped3A : memref<!tpu.dma_semaphore, #tpu.memory_space<semaphore_mem>>) src(%arg16 : memref<128xf32, #tpu.memory_space<vmem>>) dst(%dma_wait3A_406 : memref<128xf32, #tpu.memory_space<hbm>>)
      tpu.yield
    }) : () -> ()
    return
  }
}

#map = affine_map<(d0, d1) -> (0, 0)>
#map1 = affine_map<(d0, d1) -> (0)>
module attributes {stable_mosaic.version = 14 : i64} {
  func.func @_pool_body(%arg0: i32, %arg1: i32, %arg2: memref<76x4096xi32, #tpu.memory_space<hbm>>, %arg3: memref<100352xf32, #tpu.memory_space<hbm>>, %arg4: memref<4096xf32, #tpu.memory_space<hbm>>, %arg5: memref<4096xf32, #tpu.memory_space<hbm>>, %arg6: memref<76x128xi32, #tpu.memory_space<vmem>>, %arg7: memref<100352xf32, #tpu.memory_space<vmem>>, %arg8: memref<128xf32, #tpu.memory_space<vmem>>, %arg9: memref<128xf32, #tpu.memory_space<vmem>>, %arg10: memref<!tpu.dma_semaphore, #tpu.memory_space<semaphore_mem>>) attributes {dimension_semantics = [#tpu.dimension_semantics<core_parallel>, #tpu.dimension_semantics<subcore_parallel>], iteration_bounds = array<i64: 2, 16>, scalar_prefetch = 0 : i64, scratch_operands = 5 : i64, tpu.core_type = #tpu.core_type<sc_vector_subcore>, window_params = [{transform_indices = #map}, {transform_indices = #map1}, {transform_indices = #map1}, {transform_indices = #map1}]} {
    %mul3A = arith.constant 2 : i32
    %mul3A_0 = arith.muli %arg1, %mul3A : i32
    %add3A = arith.addi %mul3A_0, %arg0 : i32
    %mul3A_1 = arith.constant 128 : i32
    %mul3A_2 = arith.muli %add3A, %mul3A_1 : i32
    %multiple_of3A = tpu.assume_multiple %mul3A_2, 128 : i32
    tpu.enqueue_dma source(%arg3 : memref<100352xf32, #tpu.memory_space<hbm>>) target(%arg7 : memref<100352xf32, #tpu.memory_space<vmem>>) target_semaphore(%arg10 : memref<!tpu.dma_semaphore, #tpu.memory_space<semaphore_mem>>)
    "tpu.region"() ({
      %run_scoped3A = tpu.sem_alloc : memref<!tpu.dma_semaphore, #tpu.memory_space<semaphore_mem>>
      %dma_start3A = arith.constant 0 : i32
      %dma_start3A_7 = tpu.memref_slice %arg2[%dma_start3A, %multiple_of3A] : memref<76x4096xi32, #tpu.memory_space<hbm>> -> memref<76x128xi32, #tpu.memory_space<hbm>>
      %dma_start3A_8 = arith.constant 0 : i32
      %dma_start3A_9 = tpu.memref_slice %arg2[%dma_start3A_8, %multiple_of3A] : memref<76x4096xi32, #tpu.memory_space<hbm>> -> memref<76x128xi32, #tpu.memory_space<hbm>>
      tpu.enqueue_dma source(%dma_start3A_9 : memref<76x128xi32, #tpu.memory_space<hbm>>) target(%arg6 : memref<76x128xi32, #tpu.memory_space<vmem>>) target_semaphore(%run_scoped3A : memref<!tpu.dma_semaphore, #tpu.memory_space<semaphore_mem>>)
      %dma_wait3A = arith.constant 0 : i32
      %dma_wait3A_10 = tpu.memref_slice %arg2[%dma_wait3A, %multiple_of3A] : memref<76x4096xi32, #tpu.memory_space<hbm>> -> memref<76x128xi32, #tpu.memory_space<hbm>>
      %dma_wait3A_11 = arith.constant 0 : i32
      %dma_wait3A_12 = tpu.memref_slice %arg2[%dma_wait3A_11, %multiple_of3A] : memref<76x4096xi32, #tpu.memory_space<hbm>> -> memref<76x128xi32, #tpu.memory_space<hbm>>
      tpu.wait_dma2 semaphore(%run_scoped3A : memref<!tpu.dma_semaphore, #tpu.memory_space<semaphore_mem>>) src(%dma_wait3A_12 : memref<76x128xi32, #tpu.memory_space<hbm>>) dst(%arg6 : memref<76x128xi32, #tpu.memory_space<vmem>>)
      tpu.yield
    }) : () -> ()
    tpu.wait_dma2 semaphore(%arg10 : memref<!tpu.dma_semaphore, #tpu.memory_space<semaphore_mem>>) src(%arg3 : memref<100352xf32, #tpu.memory_space<hbm>>) dst(%arg7 : memref<100352xf32, #tpu.memory_space<vmem>>)
    %iota3A = tpu.iota {dimensions = array<i32: 0>} : vector<16xi32>
    %scan3A = arith.constant 0 : i32
    %scan3A_3 = arith.constant 8 : i32
    %scan3A_4 = arith.addi %scan3A, %scan3A_3 : i32
    %scan3A_5 = arith.constant 1 : i32
    scf.for %scan3A_7 = %scan3A to %scan3A_4 step %scan3A_5  : i32 {
      %mul3A_8 = arith.constant 16 : i32
      %mul3A_9 = arith.muli %scan3A_7, %mul3A_8 : i32
      %multiple_of3A_10 = tpu.assume_multiple %mul3A_9, 16 : i32
      %add3A_11 = vector.broadcast %multiple_of3A_10 : i32 to vector<16xi32>
      %add3A_12 = arith.addi %add3A_11, %iota3A : vector<16xi32>
      %broadcast_in_dim3A = arith.constant 0.000000e+00 : f32
      %broadcast_in_dim3A_13 = vector.broadcast %broadcast_in_dim3A : f32 to vector<16xf32>
      %broadcast_in_dim3A_14 = arith.constant 0.000000e+00 : f32
      %broadcast_in_dim3A_15 = vector.broadcast %broadcast_in_dim3A_14 : f32 to vector<16xf32>
      %scan3A_16 = arith.constant 0 : i32
      %scan3A_17 = arith.constant 50 : i32
      %scan3A_18 = arith.addi %scan3A_16, %scan3A_17 : i32
      %scan3A_19 = arith.constant 1 : i32
      %scan3A_20:2 = scf.for %scan3A_25 = %scan3A_16 to %scan3A_18 step %scan3A_19 iter_args(%scan3A_26 = %broadcast_in_dim3A_13, %scan3A_27 = %broadcast_in_dim3A_15) -> (vector<16xf32>, vector<16xf32>)  : i32 {
        %add3A_28 = arith.constant 26 : i32
        %add3A_29 = arith.addi %add3A_28, %scan3A_25 : i32
        %broadcast_in_dim3A_30 = vector.broadcast %add3A_29 : i32 to vector<16xi32>
        %gather3A = tpu.vector_load_idx %arg6[%broadcast_in_dim3A_30, %add3A_12] : memref<76x128xi32, #tpu.memory_space<vmem>>[vector<16xi32>, vector<16xi32>], vector<16xi32>,
        %gather3A_31 = tpu.vector_load_idx %arg7[%gather3A] : memref<100352xf32, #tpu.memory_space<vmem>>[vector<16xi32>], vector<16xf32>,
        %ne3A = arith.constant 0 : i32
        %ne3A_32 = vector.broadcast %ne3A : i32 to vector<16xi32>
        %ne3A_33 = arith.cmpi ne, %gather3A, %ne3A_32 : vector<16xi32>
        %jit3A = arith.constant 0.000000e+00 : f32
        %broadcast_in_dim3A_34 = vector.broadcast %jit3A : f32 to vector<16xf32>
        %select_n3A = arith.select %ne3A_33, %gather3A_31, %broadcast_in_dim3A_34 : vector<16xi1>, vector<16xf32>
        %add3A_35 = arith.addf %scan3A_26, %select_n3A : vector<16xf32>
        %jit3A_36 = arith.constant 0.000000e+00 : f32
        %jit3A_37 = arith.constant 1.000000e+00 : f32
        %broadcast_in_dim3A_38 = vector.broadcast %jit3A_36 : f32 to vector<16xf32>
        %broadcast_in_dim3A_39 = vector.broadcast %jit3A_37 : f32 to vector<16xf32>
        %select_n3A_40 = arith.select %ne3A_33, %broadcast_in_dim3A_38, %broadcast_in_dim3A_39 : vector<16xi1>, vector<16xf32>
        %add3A_41 = arith.addf %scan3A_27, %select_n3A_40 : vector<16xf32>
        scf.yield %add3A_35, %add3A_41 : vector<16xf32>, vector<16xf32>
      }
      %scan3A_21 = arith.constant 50 : i32
      %swap3A = arith.index_cast %multiple_of3A_10 : i32 to index
      %swap3A_22 = tpu.vector_load %arg8[%swap3A] {strides = array<i32>} : memref<128xf32, #tpu.memory_space<vmem>>, vector<16xf32>,
      tpu.vector_store %arg8[%swap3A], %scan3A_20#0 {strides = array<i32>} : memref<128xf32, #tpu.memory_space<vmem>>, vector<16xf32>,
      %swap3A_23 = arith.index_cast %multiple_of3A_10 : i32 to index
      %swap3A_24 = tpu.vector_load %arg9[%swap3A_23] {strides = array<i32>} : memref<128xf32, #tpu.memory_space<vmem>>, vector<16xf32>,
      tpu.vector_store %arg9[%swap3A_23], %scan3A_20#1 {strides = array<i32>} : memref<128xf32, #tpu.memory_space<vmem>>, vector<16xf32>,
    }
    %scan3A_6 = arith.constant 8 : i32
    "tpu.region"() ({
      %run_scoped3A = tpu.sem_alloc : memref<!tpu.dma_semaphore, #tpu.memory_space<semaphore_mem>>
      %dma_start3A = tpu.memref_slice %arg4[%multiple_of3A] : memref<4096xf32, #tpu.memory_space<hbm>> -> memref<128xf32, #tpu.memory_space<hbm>>
      %dma_start3A_7 = tpu.memref_slice %arg4[%multiple_of3A] : memref<4096xf32, #tpu.memory_space<hbm>> -> memref<128xf32, #tpu.memory_space<hbm>>
      tpu.enqueue_dma source(%arg8 : memref<128xf32, #tpu.memory_space<vmem>>) target(%dma_start3A_7 : memref<128xf32, #tpu.memory_space<hbm>>) target_semaphore(%run_scoped3A : memref<!tpu.dma_semaphore, #tpu.memory_space<semaphore_mem>>)
      %dma_wait3A = tpu.memref_slice %arg4[%multiple_of3A] : memref<4096xf32, #tpu.memory_space<hbm>> -> memref<128xf32, #tpu.memory_space<hbm>>
      %dma_wait3A_8 = tpu.memref_slice %arg4[%multiple_of3A] : memref<4096xf32, #tpu.memory_space<hbm>> -> memref<128xf32, #tpu.memory_space<hbm>>
      tpu.wait_dma2 semaphore(%run_scoped3A : memref<!tpu.dma_semaphore, #tpu.memory_space<semaphore_mem>>) src(%arg8 : memref<128xf32, #tpu.memory_space<vmem>>) dst(%dma_wait3A_8 : memref<128xf32, #tpu.memory_space<hbm>>)
      tpu.yield
    }) : () -> ()
    "tpu.region"() ({
      %run_scoped3A = tpu.sem_alloc : memref<!tpu.dma_semaphore, #tpu.memory_space<semaphore_mem>>
      %dma_start3A = tpu.memref_slice %arg5[%multiple_of3A] : memref<4096xf32, #tpu.memory_space<hbm>> -> memref<128xf32, #tpu.memory_space<hbm>>
      %dma_start3A_7 = tpu.memref_slice %arg5[%multiple_of3A] : memref<4096xf32, #tpu.memory_space<hbm>> -> memref<128xf32, #tpu.memory_space<hbm>>
      tpu.enqueue_dma source(%arg9 : memref<128xf32, #tpu.memory_space<vmem>>) target(%dma_start3A_7 : memref<128xf32, #tpu.memory_space<hbm>>) target_semaphore(%run_scoped3A : memref<!tpu.dma_semaphore, #tpu.memory_space<semaphore_mem>>)
      %dma_wait3A = tpu.memref_slice %arg5[%multiple_of3A] : memref<4096xf32, #tpu.memory_space<hbm>> -> memref<128xf32, #tpu.memory_space<hbm>>
      %dma_wait3A_8 = tpu.memref_slice %arg5[%multiple_of3A] : memref<4096xf32, #tpu.memory_space<hbm>> -> memref<128xf32, #tpu.memory_space<hbm>>
      tpu.wait_dma2 semaphore(%run_scoped3A : memref<!tpu.dma_semaphore, #tpu.memory_space<semaphore_mem>>) src(%arg9 : memref<128xf32, #tpu.memory_space<vmem>>) dst(%dma_wait3A_8 : memref<128xf32, #tpu.memory_space<hbm>>)
      tpu.yield
    }) : () -> ()
    return
  }
}

module attributes {stable_mosaic.version = 14 : i64} {
  func.func @_q_body(%arg0: i32, %arg1: memref<16x100352xf32, #tpu.memory_space<vmem>>, %arg2: memref<1x1x16xf32, #tpu.memory_space<vmem>>, %arg3: memref<784x128xf32, #tpu.memory_space<vmem>>) attributes {dimension_semantics = [#tpu.dimension_semantics<arbitrary>], iteration_bounds = array<i64: 1>, scalar_prefetch = 0 : i64, scratch_operands = 0 : i64, tpu.core_type = #tpu.core_type<tc>, window_params = [{transform_indices = @transform_0, window_bounds = array<i64: 16, 100352>}, {transform_indices = @transform_1, window_bounds = array<i64: 1, 1, 16>}, {transform_indices = @transform_2, window_bounds = array<i64: 784, 128>}]} {
    %get3A = arith.constant 0 : index
    %get3A_0 = arith.constant 0 : index
    %get3A_1 = vector.load %arg1[%get3A, %get3A_0] : memref<16x100352xf32, #tpu.memory_space<vmem>>, vector<16x100352xf32>
    %get3A_2 = arith.constant 0 : index
    %get3A_3 = arith.constant 0 : index
    %get3A_4 = arith.constant 0 : index
    %get3A_5 = vector.load %arg2[%get3A_2, %get3A_3, %get3A_4] : memref<1x1x16xf32, #tpu.memory_space<vmem>>, vector<1x1x16xf32>
    %get3A_6 = vector.shape_cast %get3A_5 : vector<1x1x16xf32> to vector<1x16xf32>
    %dot_general3A = arith.constant dense<0.000000e+00> : vector<1x100352xf32>
    %dot_general3A_7 = tpu.matmul %get3A_6, %get3A_1, %dot_general3A {dimension_numbers = #tpu.dot_dimension_numbers<[1], [0], [0], [1], [0, 0, 1, 1], [], []>, transpose_lhs_hint = false} : vector<1x16xf32>, vector<16x100352xf32>, vector<1x100352xf32> -> vector<1x100352xf32>
    %reshape3A = vector.shape_cast %dot_general3A_7 : vector<1x100352xf32> to vector<784x128xf32>
    %swap3A = arith.constant 0 : index
    %swap3A_8 = arith.constant 0 : index
    %swap3A_9 = vector.load %arg3[%swap3A, %swap3A_8] : memref<784x128xf32, #tpu.memory_space<vmem>>, vector<784x128xf32>
    tpu.vector_store %arg3[%swap3A, %swap3A_8], %reshape3A {strides = array<i32>} : memref<784x128xf32, #tpu.memory_space<vmem>>, vector<784x128xf32>,
    return
  }
  func.func @transform_0(%arg0: i32) -> (i32, i32) {
    %c0_i32 = arith.constant 0 : i32
    %c0_i32_0 = arith.constant 0 : i32
    return %c0_i32, %arg0 : i32, i32
  }
  func.func @transform_1(%arg0: i32) -> (i32, i32, i32) {
    %c26_i32 = arith.constant 26 : i32
    %c0_i32 = arith.constant 0 : i32
    %c0_i32_0 = arith.constant 0 : i32
    %c0_i32_1 = arith.constant 0 : i32
    return %c26_i32, %c0_i32, %c0_i32_0 : i32, i32, i32
  }
  func.func @transform_2(%arg0: i32) -> (i32, i32) {
    %c0_i32 = arith.constant 0 : i32
    %c0_i32_0 = arith.constant 0 : i32
    return %arg0, %c0_i32 : i32, i32
  }
}

module attributes {stable_mosaic.version = 14 : i64} {
  func.func @_p_body(%arg0: i32, %arg1: memref<2x16x100352xf32, #tpu.memory_space<vmem>>, %arg2: memref<2x1x16xf32, #tpu.memory_space<vmem>>, %arg3: memref<1568x128xf32, #tpu.memory_space<vmem>>) attributes {dimension_semantics = [#tpu.dimension_semantics<arbitrary>], iteration_bounds = array<i64: 13>, scalar_prefetch = 0 : i64, scratch_operands = 0 : i64, tpu.core_type = #tpu.core_type<tc>, window_params = [{transform_indices = @transform_0, window_bounds = array<i64: 2, 16, 100352>}, {transform_indices = @transform_1, window_bounds = array<i64: 2, 1, 16>}, {transform_indices = @transform_2, window_bounds = array<i64: 1568, 128>}]} {
    %get3A = arith.constant 0 : index
    %get3A_0 = arith.constant 0 : index
    %get3A_1 = arith.constant 0 : index
    %get3A_2 = vector.load %arg2[%get3A, %get3A_0, %get3A_1] : memref<2x1x16xf32, #tpu.memory_space<vmem>>, vector<1x1x16xf32>
    %get3A_3 = vector.shape_cast %get3A_2 : vector<1x1x16xf32> to vector<1x16xf32>
    %get3A_4 = arith.constant 0 : index
    %get3A_5 = arith.constant 0 : index
    %get3A_6 = arith.constant 0 : index
    %get3A_7 = vector.load %arg1[%get3A_4, %get3A_5, %get3A_6] : memref<2x16x100352xf32, #tpu.memory_space<vmem>>, vector<1x16x100352xf32>
    %get3A_8 = vector.shape_cast %get3A_7 : vector<1x16x100352xf32> to vector<16x100352xf32>
    %dot_general3A = arith.constant dense<0.000000e+00> : vector<1x100352xf32>
    %dot_general3A_9 = tpu.matmul %get3A_3, %get3A_8, %dot_general3A {dimension_numbers = #tpu.dot_dimension_numbers<[1], [0], [0], [1], [0, 0, 1, 1], [], []>, transpose_lhs_hint = false} : vector<1x16xf32>, vector<16x100352xf32>, vector<1x100352xf32> -> vector<1x100352xf32>
    %get3A_10 = arith.constant 1 : index
    %get3A_11 = arith.constant 0 : index
    %get3A_12 = arith.constant 0 : index
    %get3A_13 = vector.load %arg2[%get3A_10, %get3A_11, %get3A_12] : memref<2x1x16xf32, #tpu.memory_space<vmem>>, vector<1x1x16xf32>
    %get3A_14 = vector.shape_cast %get3A_13 : vector<1x1x16xf32> to vector<1x16xf32>
    %get3A_15 = arith.constant 1 : index
    %get3A_16 = arith.constant 0 : index
    %get3A_17 = arith.constant 0 : index
    %get3A_18 = vector.load %arg1[%get3A_15, %get3A_16, %get3A_17] : memref<2x16x100352xf32, #tpu.memory_space<vmem>>, vector<1x16x100352xf32>
    %get3A_19 = vector.shape_cast %get3A_18 : vector<1x16x100352xf32> to vector<16x100352xf32>
    %dot_general3A_20 = arith.constant dense<0.000000e+00> : vector<1x100352xf32>
    %dot_general3A_21 = tpu.matmul %get3A_14, %get3A_19, %dot_general3A_20 {dimension_numbers = #tpu.dot_dimension_numbers<[1], [0], [0], [1], [0, 0, 1, 1], [], []>, transpose_lhs_hint = false} : vector<1x16xf32>, vector<16x100352xf32>, vector<1x100352xf32> -> vector<1x100352xf32>
    %reshape3A = vector.shape_cast %dot_general3A_9 : vector<1x100352xf32> to vector<784x128xf32>
    %reshape3A_22 = vector.shape_cast %dot_general3A_21 : vector<1x100352xf32> to vector<784x128xf32>
    %concatenate3A = tpu.concatenate %reshape3A, %reshape3A_22 in 0 : vector<784x128xf32>, vector<784x128xf32> -> vector<1568x128xf32>
    %swap3A = arith.constant 0 : index
    %swap3A_23 = arith.constant 0 : index
    %swap3A_24 = vector.load %arg3[%swap3A, %swap3A_23] : memref<1568x128xf32, #tpu.memory_space<vmem>>, vector<1568x128xf32>
    tpu.vector_store %arg3[%swap3A, %swap3A_23], %concatenate3A {strides = array<i32>} : memref<1568x128xf32, #tpu.memory_space<vmem>>, vector<1568x128xf32>,
    return
  }
  func.func @transform_0(%arg0: i32) -> (i32, i32, i32) {
    %c0_i32 = arith.constant 0 : i32
    %c0_i32_0 = arith.constant 0 : i32
    %c0_i32_1 = arith.constant 0 : i32
    return %arg0, %c0_i32, %c0_i32_0 : i32, i32, i32
  }
  func.func @transform_1(%arg0: i32) -> (i32, i32, i32) {
    %c0_i32 = arith.constant 0 : i32
    %c0_i32_0 = arith.constant 0 : i32
    %c0_i32_1 = arith.constant 0 : i32
    return %arg0, %c0_i32, %c0_i32_0 : i32, i32, i32
  }
  func.func @transform_2(%arg0: i32) -> (i32, i32) {
    %c0_i32 = arith.constant 0 : i32
    %c0_i32_0 = arith.constant 0 : i32
    return %arg0, %c0_i32 : i32, i32
  }
}

</mosaic_0001>

<sc_bundles>
// kernel: _run.6.cloned.1.call-start
scs
__scs_entry_jumppad:
0x0: {  	(pc) =	sbr.rel $0x88, $3  }
0x1: {  	(tag) =	ssettag $0x0;
	lr =	simm.s32 $0x1  }
0x2: {  	[smem:$0x3F9C] =	sst lr;
	_ =	strace $0xD0000000  }
0x3: {  	_ = 	snop  }
0x4: {  	_ = 	snop  }
0x5: {  	_ = 	snop  }
0x6: {  	_ = 	snop  }
0x7: {  	_ = 	snop  }
__scs_overlays_trampoline_lowered:
0x8: {  	[smem:$0x3FAB] =	sst s0  }
0x9: {  	[smem:$0x3FAC] =	sst s1  }
0xa: {  	[smem:$0x3FAD] =	sst s2  }
0xb: {  	[smem:$0x3FAE] =	sst s3  }
0xc: {  	[smem:$0x3FAF] =	sst s4  }
0xd: {  	[smem:$0x3FB0] =	sst s5  }
0xe: {  	[smem:$0x3FB1] =	sst s6  }
0xf: {  	[smem:$0x3FB2] =	sst s7  }
0x10: {  	[smem:$0x3FB3] =	sst s8  }
0x11: {  	[smem:$0x3FB4] =	sst s9;
	s0 =	simm.s32 @!p0 $0x0  }
0x12: {  	s1 =	sld [smem:$0x3F9A];
	s0 =	simm.s32 @p0 $0x1  }
0x13: {  	[smem:$0x3FB5] =	sst s0;
	s0 =	simm.s32 @!p1 $0x0  }
0x14: {  	s2 =	sld [smem:$0x3F99];
	s0 =	simm.s32 @p1 $0x1  }
0x15: {  	[smem:$0x3FB6] =	sst s0;
	s0 =	simm.s32 @!p2 $0x0  }
0x16: {  	s3 =	sld [smem:$0x3FDB];
	s0 =	simm.s32 @p2 $0x1  }
0x17: {  	s4 =	simm.s32 $0x1BF5;
	[smem:$0x3FB8] =	sst s0  }
0x18: {  	s0 =	sld [smem:$0x3F9B];
	_ =	swait.ge [sflag:s4], $0x0  }
0x19: {  	s7 =	sld [smem:$0x3F9C]  }
0x1a: {  	s8 =	sadd.s32 $0xFFFFE003, lr  }
0x1b: {  	s9 =	sadd.s32 $0xFFFFFEF7, lr;
	s5 =	simm.s32 $0xFFFFFFFF;
	p2 =	slt.u32 s8, $0xFFFFF086  }
0x1c: {  	p1 =	slt.u32 s9, $0xF7A;
	s5 =	simm.s32 @!p2 $0x0  }
0x1d: {  	s5 =	simm.s32 @p1 $0x1;
	p0 =	seq.s32 s7, s2  }
0x1e: {  	s7 =	smul.u32 @!p0 $0xF7A, s2;
	p2 =	seq.s32 @!p0 s5, $0x0  }
0x1f: {  	s9 =	smul.u32 $0xF7A, s1;
	s8 =	simm.s32 @!p0 $0x1BF5;
	p2 =	por !p2, p0  }
0x20: {  	[sflag:s8] =	ssyncset.s32 @!p0 $0xFFFFF086;
	s6 =	sadd.s32 @!p0 s3, s7;
	s7 =	simm.s32 @!p0 $0x108  }
0x21: {  	s3 =	sadd.s32 s3, s9;
	s6 =	sadd.s32 @!p0 $0x88, s6;
	s7 =	simm.s32 @p2 $0x1082  }
0x22: {  	[simem:s7], [sflag:s8] =	dma.local @!p0 [hbm:s6], $0xF7A  }
0x23: {  	s9 =	sor.u32 $0xD0000000, s2;
	s6 =	simm.s32 $0x108;
	_ =	swait.ge @!p0 [sflag:s8], $0x0  }
0x24: {  	s3 =	sadd.s32 $0x88, s3;
	s6 =	simm.s32 @!p1 $0x1082;
	[sflag:s4] =	ssyncset.s32 $0xFFFFF086  }
0x25: {  	[simem:s6], [sflag:s4] =	dma.local [hbm:s3], $0xF7A  }
0x26: {  	[smem:$0x3F9C] =	sst s1;
	(tag) =	ssettag s2;
	_ =	strace s9  }
0x27: {  	s1 =	sld [smem:$0x3FAC]  }
0x28: {  	s2 =	sld [smem:$0x3FAD]  }
0x29: {  	s4 =	sld [smem:$0x3FAF]  }
0x2a: {  	p0 =	seq.s32 s5, $0x0;
	s5 =	sld [smem:$0x3FB0]  }
0x2b: {  	s6 =	sld [smem:$0x3FB1]  }
0x2c: {  	s7 =	sld [smem:$0x3FB2]  }
0x2d: {  	s3 =	simm.s32 $0x108;
	s8 =	sld [smem:$0x3FB3]  }
0x2e: {  	s3 =	simm.s32 @!p0 $0x1082;
	s9 =	sld [smem:$0x3FB4]  }
0x2f: {  	lr =	sadd.s32 s0, s3;
	s0 =	sld [smem:$0x3FAB]  }
0x30: {  	s3 =	sld [smem:$0x3FAE]  }
0x31: {  	[smem:$0x3FB7] =	sst s10  }
0x32: {  	s10 =	sld [smem:$0x3FB5];
	_ =	sdelay $0x3  }
0x33: {  	p0 =	seq.s32 s10, $0x1;
	s10 =	sld [smem:$0x3FB7];
	_ =	sdelay $0x3  }
0x34: {  	[smem:$0x3FB7] =	sst s10  }
0x35: {  	s10 =	sld [smem:$0x3FB6];
	_ =	sdelay $0x3  }
0x36: {  	p1 =	seq.s32 s10, $0x1;
	s10 =	sld [smem:$0x3FB7];
	_ =	sdelay $0x3  }
0x37: {  	[smem:$0x3FB7] =	sst s10  }
0x38: {  	s10 =	sld [smem:$0x3FB8]  }
0x39: {  	_ = 	snop;
	(pc) =	sbr.ind lr, $3  }
0x3a: {  	_ = 	snop  }
0x3b: {  	_ = 	snop  }
0x3c: {  	p2 =	seq.s32 s10, $0x1;
	s10 =	sld [smem:$0x3FB7]  }
0x3d: {  	_ =	shalt  }
0x3e: {  	_ =	shalt  }
0x3f: {  	_ =	shalt  }
0x40: {  	_ =	shalt  }
0x41: {  	_ =	shalt  }
0x42: {  	_ =	shalt  }
0x43: {  	_ =	shalt  }
0x44: {  	_ =	shalt  }
0x45: {  	_ =	shalt  }
0x46: {  	_ =	shalt  }
0x47: {  	_ =	shalt  }
0x48: {  	_ =	shalt  }
0x49: {  	_ =	shalt  }
0x4a: {  	_ =	shalt  }
0x4b: {  	_ =	shalt  }
0x4c: {  	_ =	shalt  }
0x4d: {  	_ =	shalt  }
0x4e: {  	_ =	shalt  }
0x4f: {  	_ =	shalt  }
0x50: {  	_ =	shalt  }
0x51: {  	_ =	shalt  }
0x52: {  	_ =	shalt  }
0x53: {  	_ =	shalt  }
0x54: {  	_ =	shalt  }
0x55: {  	_ =	shalt  }
0x56: {  	_ =	shalt  }
0x57: {  	_ =	shalt  }
0x58: {  	_ =	shalt  }
0x59: {  	_ =	shalt  }
0x5a: {  	_ =	shalt  }
0x5b: {  	_ =	shalt  }
0x5c: {  	_ =	shalt  }
0x5d: {  	_ =	shalt  }
0x5e: {  	_ =	shalt  }
0x5f: {  	_ =	shalt  }
0x60: {  	_ =	shalt  }
0x61: {  	_ =	shalt  }
0x62: {  	_ =	shalt  }
0x63: {  	_ =	shalt  }
0x64: {  	_ =	shalt  }
0x65: {  	_ =	shalt  }
0x66: {  	_ =	shalt  }
0x67: {  	_ =	shalt  }
0x68: {  	_ =	shalt  }
0x69: {  	_ =	shalt  }
0x6a: {  	_ =	shalt  }
0x6b: {  	_ =	shalt  }
0x6c: {  	_ =	shalt  }
0x6d: {  	_ =	shalt  }
0x6e: {  	_ =	shalt  }
0x6f: {  	_ =	shalt  }
0x70: {  	_ =	shalt  }
0x71: {  	_ =	shalt  }
0x72: {  	_ =	shalt  }
0x73: {  	_ =	shalt  }
0x74: {  	_ =	shalt  }
0x75: {  	_ =	shalt  }
0x76: {  	_ =	shalt  }
0x77: {  	_ =	shalt  }
0x78: {  	_ =	shalt  }
0x79: {  	_ =	shalt  }
0x7a: {  	_ =	shalt  }
0x7b: {  	_ =	shalt  }
0x7c: {  	_ =	shalt  }
0x7d: {  	_ =	shalt  }
0x7e: {  	_ =	shalt  }
0x7f: {  	_ =	shalt  }
0x80: {  	_ =	shalt  }
0x81: {  	_ =	shalt  }
0x82: {  	_ =	shalt  }
0x83: {  	_ =	shalt  }
0x84: {  	_ =	shalt  }
0x85: {  	_ =	shalt  }
0x86: {  	_ =	shalt  }
0x87: {  	_ =	shalt  }
.Lfunc_end0:
.L_simem_size_0:
called_computation_lowered:
.L_overlay_start_0:
0x88: {  	s2 =	sld [smem:$0x3FD9]  }
0x89: {  	s3 =	sld [smem:$0x3FFE];
	_ =	sdelay $0x1  }
0x8a: {  	s1 =	srdreg.scid  }
0x8b: {  	s0 =	sand.u32 $0x1, s1  }
0x8c: {  	s16 =	sshll.u32 s0, $0xA;
	s2 =	sadd.s32 s3, s2  }
0x8d: {  	s2 =	sadd.s32 s2, s16  }
0x8e: {  	[smem:$0x3FC3] =	sst s2  }
0x8f: {  	_ = 	snop  }
0x90: {  	(tm) =	ssettm $0x1  }
0x91: {  	s17 =	sld [smem:$0x3FFB];
	_ =	sdelay $0x3  }
0x92: {  	_ =	strace s17  }
0x93: {  	s2 =	sld [smem:$0x3FFC];
	_ =	sdelay $0x3  }
0x94: {  	_ =	strace s2  }
0x95: {  	s2 =	sld [smem:$0x3FFD];
	_ =	sdelay $0x3  }
0x96: {  	_ =	strace s2  }
0x97: {  	_ =	strace $0x8FFFFFFF  }
0x98: {  	s18 =	sld [smem:$0x3FDB];
	_ =	sdelay $0x1  }
0x99: {  	s19 =	simm.s32 $_scs_section_size  }
0x9a: {  	s4 =	simm.s32 $_size__tile_overlayer_lowered;
	s5 =	simm.s32 $_tile_overlayer_lowered  }
0x9b: {  	s22 =	simm.s32 $0x1BFF;
	s21 =	sshll.u32 s5, $0x1;
	s2 =	sadd.s32 s19, s18  }
0x9c: {  	s6 =	simm.s32 $0x0;
	s20 =	sshll.u32 s4, $0x1;
	s4 =	sadd.s32 s21, s2  }
0x9d: {  	[timem:s6], [sflag:s22] =	dma.local [hbm:s4], s20  }
0x9e: {  	_ =	swait.ge [sflag:s22], s20  }
0x9f: {  	s3 =	ssub.s32 $0x0, s20;
	[sflag:s22] =	ssyncset.done $0x0  }
0xa0: {  	[sflag:s22] =	ssyncadd.s32 s3;
	_ =	sdelay $0x1  }
0xa1: {  	s23 =	simm.s32 $0x1B8B  }
0xa2: {  	_ =	swait.ge [sflag:s23], $0x1  }
0xa3: {  	[sflag:s23] =	ssyncset.done $0x0  }
0xa4: {  	s25 =	simm.s32 $0x1B8E;
	s24 =	sld [smem:$0x3FFE];
	[sflag:s23] =	ssyncadd.s32 $0xFFFFFFFF  }
0xa5: {  	s26 =	simm.s32 $execute0_lowered;
	[smem:$0x3FD2] =	sst s25  }
0xa6: {  	s4 =	sshll.u32 s26, $0x1;
	_ =	strace $0x80000046;
	[dreg:$0x1] =	wrdreg $0xFFFFFFFF  }
0xa7: {  	s28 =	simm.s32 $_size_execute0_lowered;
	s2 =	sadd.s32 s2, s4;
	[dreg:$0x0] =	wrdreg $0x0  }
0xa8: {  	s4 =	sshll.u32 s28, $0x1;
	[dreg:$0x2] =	wrdreg s2  }
0xa9: {  	[dreg:$0x3] =	wrdreg s4  }
0xaa: {  	[dreg:$0x4] =	wrdreg $0xC0  }
0xab: {  	_ =	task [dreg:s6], $0x5FFFF  }
0xac: {  	[dreg:$0x1] =	wrdreg $0xFFFFFFFF  }
0xad: {  	[dreg:$0x0] =	wrdreg $0x60  }
0xae: {  	[dreg:$0x2] =	wrdreg s24  }
0xaf: {  	[dreg:$0x3] =	wrdreg $0x9  }
0xb0: {  	_ =	task.clear_ibuf [dreg:s6], $0x4FFFF;
	_ =	strace $0x90000046  }
0xb1: {  	s29 =	simm.s32 $0x9;
	_ =	strace $0x80000048  }
0xb2: {  	_ =	swait.ge [sflag:s29], $0x1  }
0xb3: {  	[sflag:s29] =	ssyncadd.s32 $0xFFFFFFFF  }
0xb4: {  	_ =	strace $0x90000048  }
0xb5: {  	_ =	sfence  }
0xb6: {  	s30 =	sld [smem:$0x0];
	_ =	sdelay $0x2  }
0xb7: {  	s31 =	sshll.u32 s1, $0xD;
	s1 =	sshrl.u32 s1, $0x2  }
0xb8: {  	s3 =	sand.u32 $0x4000, s31;
	s1 =	sadd.s32 s1, s30  }
0xb9: {  	s0 =	sor.u32 s3, s0;
	s1 =	sshll.u32 s1, $0x11  }
0xba: {  	s0 =	sor.u32 s1, s0  }
0xbb: {  	s0 =	sadd.s32 $0x8F2B, s0  }
0xbc: {  	[sflag:s0] =	ssyncadd.remote.s32 $0x1  }
0xbd: {  	_ =	sfence.sel $0xFFFF  }
0xbe: {  	[dreg:$0x0] =	wrdreg $0xFFFFFFFF;
	(pc) =	sbr.abs _section_cstart, $3  }
0xbf: {  	[dreg:$0x1] =	wrdreg $0xFFFFFFFF  }
0xc0: {  	_ =	task.clear_ibuf [dreg:s6], $0x2FFFF;
	_ =	strace $0x9FFFFFFF  }
0xc1: {  	(tm) =	ssettm $0x7FFFFFFF  }
tec
execute0_lowered:
.L_overlay_start_1:
0x0: {  	(tag) =	ssettag $0x1  }
0x1: {  	s4 =	rddreg [dreg:$0x0]  }
0x2: {  	s0 =	rddreg [dreg:$0x1];
	s2 =	simm.s32 $0x0;
	s3 =	srdreg.scid  }
0x3: {  	s1 =	stileid.u32;
	s9 =	simm.s32 $0x80;
	s10 =	simm.s32 $0x1000  }
0x4: {  	s11 =	simm.s32 $0x2;
	s12 =	simm.s32 $0x1;
	s13 =	simm.s32 $0x1AE00  }
0x5: {  	s14 =	simm.s32 $0x1AE80;
	s15 =	simm.s32 $0x0;
	s3 =	sand.u32 $0x1, s3  }
0x6: {  	[smem:$0x7FF] =	sst s2;
	s5 =	sshll.u32 s1, $0x5;
	s6 =	sshll.u32 s3, $0x4  }
0x7: {  	s7 =	ssub.s32 $0x2, s3;
	_ =	strace $0x80000047;
	s5 =	sor.u32 s6, s5  }
0x8: {  	s3 =	sadd.s32 $0xAA00, s4;
	s31 =	sshrl.u32 s7, $0x1;
	s8 =	sadd.s32 s5, s4  }
0x9: {  	s7 =	ssub.s32 s7, s31;
	s4 =	sadd.s32 $0x1200, s8;
	s5 =	sadd.s32 $0xDC00, s8  }
0xa: {  	v0 =	vlaneseq.u32;
	v1 =	vimm.f32 $0.0e+00;
	s6 =	sadd.s32 $0xDE00, s8;
	s7 =	smax.u32 s7, $0x1;
	s8 =	simm.s32 $0x2600  }
.LBB2_1:
0xb: {  	[tilespmem:s8], [sflag:$0x1] =	stream.linear.gather [hbm4b:s3+s2], $0x18800, $0x38;
	[tilespmem:$0x1AF00] =	vst v63  }
0xc: {  	_ = 	snop  }
0xd: {  	[tilespmem:s2], [sflag:$0x2] =	stream.strided.gather [hbm4b:s4+s9], $0x2600, s10, s9, $0x38;
	[tilespmem:$0x1AF00] =	vst v63  }
0xe: {  	_ =	swait.ge [sflag:s11], $0x2600  }
0xf: {  	[sflag:s11] =	ssyncset.done $0x0  }
0x10: {  	[sflag:s11] =	ssyncadd.s32 $0xFFFFDA00  }
0x11: {  	_ =	swait.ge [sflag:s12], $0x18800  }
0x12: {  	[sflag:s12] =	ssyncset.done $0x0  }
0x13: {  	s16 =	simm.s32 $0x0;
	[sflag:s12] =	ssyncadd.s32 $0xFFFE7800  }
.LBB2_2:
0x14: {  	s17 =	sshll.u32 s16, $0x4;
	s18 =	simm.s32 $0xD00  }
0x15: {  	s18 =	sor.u32 s17, s18  }
0x16: {  	v2 =	vor.u32 s18, v0;
	_ =	sdelay $0x4  }
0x17: {  	v5 =	vld.idx.msk [tilespmem:v2+s2+$0x0], $0xffff;
	_ =	sdelay $0x1  }
0x18: {  	s31 =	simm.s32 $0xD80  }
0x19: {  	s18 =	sor.u32 s17, s31  }
0x1a: {  	v3 =	vor.u32 s18, v0;
	_ =	sdelay $0x3  }
0x1b: {  	v6 =	vld.idx.msk [tilespmem:v5+s8+$0x0], $0xffff  }
0x1c: {  	v4 =	vld.idx.msk [tilespmem:v3+s2+$0x0], $0xffff  }
0x1d: {  	s19 =	simm.s32 $0xE00;
	s18 =	simm.s32 $0x1D;
	v2 =	vimm.f32 $0.0e+00;
	v3 =	vimm.f32 $0.0e+00  }
.LBB2_3:
0x1e: {  	p0 =	sne.s32 s18, $0x4B;
	s19 =	sor.u32 s17, s19  }
0x1f: {  	vm0 =	veq.s32 v5, $0x0;
	v7 =	vor.u32 s19, v0  }
0x20: {  	v8 =	vsel vm0, $0x0, v6;
	v6 =	vsel vm0, $0x3F800000, v1  }
0x21: {  	v2 =	vadd.f32 v8, v2;
	v3 =	vadd.f32 v6, v3;
	v5 =	vmov v4  }
.Ltmp0:
0x22: {  	(pc) =	sbr.rel @p0 .LBB2_3-.Ltmp0, $3  }
0x23: {  	v6 =	vld.idx.msk [tilespmem:v4+s8+$0x0], $0xffff  }
0x24: {  	v4 =	vld.idx.msk [tilespmem:v7+s2+$0x0], $0xffff;
	_ =	sdelay $0x1  }
0x25: {  	s19 =	sshll.u32 s18, $0x7;
	s18 =	sadd.s32 $0x1, s18  }
0x26: {  	s18 =	sor.u32 s17, s19  }
0x27: {  	v7 =	vor.u32 s18, v0;
	_ =	sdelay $0x4  }
0x28: {  	v7 =	vld.idx.msk [tilespmem:v7+s2+$0x0], $0xffff;
	_ =	sdelay $0x5  }
0x29: {  	v8 =	vld.idx.msk [tilespmem:v4+s8+$0x0], $0xffff  }
0x2a: {  	vm0 =	veq.s32 v5, $0x0  }
0x2b: {  	v60 =	vsel vm0, $0x3F800000, v1;
	v59 =	vld.idx.msk [tilespmem:v7+s8+$0x0], $0xffff  }
0x2c: {  	v6 =	vsel vm0, $0x0, v6;
	vm14 =	veq.s32 v4, $0x0;
	v3 =	vadd.f32 v60, v3  }
0x2d: {  	s16 =	sadd.s32 $0x1, s16;
	v2 =	vadd.f32 v6, v2;
	v61 =	vsel vm14, $0x3F800000, v1  }
0x2e: {  	p0 =	sne.s32 s16, $0x8;
	v3 =	vadd.f32 v61, v3;
	v4 =	vsel vm14, $0x0, v8;
	vm15 =	veq.s32 v7, $0x0  }
.Ltmp1:
0x2f: {  	v2 =	vadd.f32 v4, v2;
	v63 =	vsel vm15, $0x3F800000, v1;
	(pc) =	sbr.rel @p0 .LBB2_2-.Ltmp1, $4  }
0x30: {  	v3 =	vadd.f32 v63, v3;
	v62 =	vsel vm15, $0x0, v59  }
0x31: {  	v2 =	vadd.f32 v62, v2  }
0x32: {  	[tilespmem:s17+$0x1AE80] =	vst v3  }
0x33: {  	[tilespmem:s17+$0x1AE00] =	vst v2  }
0x34: {  	[hbm4b:s5+s2] =	stream.linear.scatter [tilespmem:s13], [sflag:$0x2], $0x80, $0x38;
	[tilespmem:$0x1AF00] =	vst v63  }
0x35: {  	s15 =	sadd.s32 $0x1, s15;
	_ =	swait.ge [sflag:s11], $0x80  }
0x36: {  	p0 =	sne.s32 s15, s7;
	[sflag:s11] =	ssyncset.done $0x0  }
.Ltmp2:
0x37: {  	[sflag:s11] =	ssyncadd.s32 $0xFFFFFF80;
	(pc) =	sbr.rel @p0 .LBB2_1-.Ltmp2, $4  }
0x38: {  	[hbm4b:s6+s2] =	stream.linear.scatter [tilespmem:s14], [sflag:$0x2], $0x80, $0x38;
	[tilespmem:$0x1AF00] =	vst v63  }
0x39: {  	_ =	swait.ge [sflag:s11], $0x80  }
0x3a: {  	[sflag:s11] =	ssyncset.done $0x0  }
0x3b: {  	[sflag:s11] =	ssyncadd.s32 $0xFFFFFF80  }
0x3c: {  	_ =	sfence.sel $0x180000  }
0x3d: {  	[bflag:$0x0] =	sbarrier.arrive $0xFFFF  }
0x3e: {  	p0 =	sne.s32 s1, $0x0;
	_ =	strace $0x90000047  }
0x3f: {  	s0 =	sadd.s32 @!p0 $0x100000, s0;
	[bflag:$0x2] =	sbarrier.arrive $0xFFFF  }
0x40: {  	[sflag:s0] =	ssyncadd.tile.s32 @!p0 $0x1;
	_ =	shalt  }
.Lfunc_end2:
_tile_overlayer_lowered:
.L_overlay_start_2:
0x41: {  	(tag) =	ssettag $0x2  }
0x42: {  	s0 =	rddreg [dreg:$0x0];
	s2 =	stileid.u32  }
0x43: {  	s1 =	rddreg [dreg:$0x1];
	p0 =	sne.s32 s2, $0x0  }
0x44: {  	s3 =	rddreg [dreg:$0x2];
	[bflag:$0x3] =	sbarrier.arrive $0xFFFF;
	s2 =	simm.s32 @!p0 $0x1C02  }
0x45: {  	[timem:s3], [sflag:s2] =	dma.local @!p0 [hbm:s0], s1  }
0x46: {  	s0 =	simm.s32 @!p0 $0x2  }
0x47: {  	_ =	swait.ge @!p0 [sflag:s0], s1  }
0x48: {  	s1 =	ssub.s32 @!p0 $0x0, s1;
	[sflag:s0] =	ssyncset.done @!p0 $0x0  }
0x49: {  	[sflag:s0] =	ssyncadd.s32 @!p0 s1  }
0x4a: {  	[bflag:$0x3] =	sbarrier.arrive $0xFFFF  }
0x4b: {  	_ =	shalt  }

// kernel: _run.9.cloned.1.call-start
scs
__scs_entry_jumppad:
0x0: {  	(pc) =	sbr.rel $0x88, $3  }
0x1: {  	(tag) =	ssettag $0x0;
	lr =	simm.s32 $0x1  }
0x2: {  	[smem:$0x3F9C] =	sst lr;
	_ =	strace $0xD0000000  }
0x3: {  	_ = 	snop  }
0x4: {  	_ = 	snop  }
0x5: {  	_ = 	snop  }
0x6: {  	_ = 	snop  }
0x7: {  	_ = 	snop  }
__scs_overlays_trampoline_lowered:
0x8: {  	[smem:$0x3FAB] =	sst s0  }
0x9: {  	[smem:$0x3FAC] =	sst s1  }
0xa: {  	[smem:$0x3FAD] =	sst s2  }
0xb: {  	[smem:$0x3FAE] =	sst s3  }
0xc: {  	[smem:$0x3FAF] =	sst s4  }
0xd: {  	[smem:$0x3FB0] =	sst s5  }
0xe: {  	[smem:$0x3FB1] =	sst s6  }
0xf: {  	[smem:$0x3FB2] =	sst s7  }
0x10: {  	[smem:$0x3FB3] =	sst s8  }
0x11: {  	[smem:$0x3FB4] =	sst s9;
	s0 =	simm.s32 @!p0 $0x0  }
0x12: {  	s1 =	sld [smem:$0x3F9A];
	s0 =	simm.s32 @p0 $0x1  }
0x13: {  	[smem:$0x3FB5] =	sst s0;
	s0 =	simm.s32 @!p1 $0x0  }
0x14: {  	s2 =	sld [smem:$0x3F99];
	s0 =	simm.s32 @p1 $0x1  }
0x15: {  	[smem:$0x3FB6] =	sst s0;
	s0 =	simm.s32 @!p2 $0x0  }
0x16: {  	s3 =	sld [smem:$0x3FDB];
	s0 =	simm.s32 @p2 $0x1  }
0x17: {  	s4 =	simm.s32 $0x1BF5;
	[smem:$0x3FB8] =	sst s0  }
0x18: {  	s0 =	sld [smem:$0x3F9B];
	_ =	swait.ge [sflag:s4], $0x0  }
0x19: {  	s7 =	sld [smem:$0x3F9C]  }
0x1a: {  	s8 =	sadd.s32 $0xFFFFE003, lr  }
0x1b: {  	s9 =	sadd.s32 $0xFFFFFEF7, lr;
	s5 =	simm.s32 $0xFFFFFFFF;
	p2 =	slt.u32 s8, $0xFFFFF086  }
0x1c: {  	p1 =	slt.u32 s9, $0xF7A;
	s5 =	simm.s32 @!p2 $0x0  }
0x1d: {  	s5 =	simm.s32 @p1 $0x1;
	p0 =	seq.s32 s7, s2  }
0x1e: {  	s7 =	smul.u32 @!p0 $0xF7A, s2;
	p2 =	seq.s32 @!p0 s5, $0x0  }
0x1f: {  	s9 =	smul.u32 $0xF7A, s1;
	s8 =	simm.s32 @!p0 $0x1BF5;
	p2 =	por !p2, p0  }
0x20: {  	[sflag:s8] =	ssyncset.s32 @!p0 $0xFFFFF086;
	s6 =	sadd.s32 @!p0 s3, s7;
	s7 =	simm.s32 @!p0 $0x108  }
0x21: {  	s3 =	sadd.s32 s3, s9;
	s6 =	sadd.s32 @!p0 $0x88, s6;
	s7 =	simm.s32 @p2 $0x1082  }
0x22: {  	[simem:s7], [sflag:s8] =	dma.local @!p0 [hbm:s6], $0xF7A  }
0x23: {  	s9 =	sor.u32 $0xD0000000, s2;
	s6 =	simm.s32 $0x108;
	_ =	swait.ge @!p0 [sflag:s8], $0x0  }
0x24: {  	s3 =	sadd.s32 $0x88, s3;
	s6 =	simm.s32 @!p1 $0x1082;
	[sflag:s4] =	ssyncset.s32 $0xFFFFF086  }
0x25: {  	[simem:s6], [sflag:s4] =	dma.local [hbm:s3], $0xF7A  }
0x26: {  	[smem:$0x3F9C] =	sst s1;
	(tag) =	ssettag s2;
	_ =	strace s9  }
0x27: {  	s1 =	sld [smem:$0x3FAC]  }
0x28: {  	s2 =	sld [smem:$0x3FAD]  }
0x29: {  	s4 =	sld [smem:$0x3FAF]  }
0x2a: {  	p0 =	seq.s32 s5, $0x0;
	s5 =	sld [smem:$0x3FB0]  }
0x2b: {  	s6 =	sld [smem:$0x3FB1]  }
0x2c: {  	s7 =	sld [smem:$0x3FB2]  }
0x2d: {  	s3 =	simm.s32 $0x108;
	s8 =	sld [smem:$0x3FB3]  }
0x2e: {  	s3 =	simm.s32 @!p0 $0x1082;
	s9 =	sld [smem:$0x3FB4]  }
0x2f: {  	lr =	sadd.s32 s0, s3;
	s0 =	sld [smem:$0x3FAB]  }
0x30: {  	s3 =	sld [smem:$0x3FAE]  }
0x31: {  	[smem:$0x3FB7] =	sst s10  }
0x32: {  	s10 =	sld [smem:$0x3FB5];
	_ =	sdelay $0x3  }
0x33: {  	p0 =	seq.s32 s10, $0x1;
	s10 =	sld [smem:$0x3FB7];
	_ =	sdelay $0x3  }
0x34: {  	[smem:$0x3FB7] =	sst s10  }
0x35: {  	s10 =	sld [smem:$0x3FB6];
	_ =	sdelay $0x3  }
0x36: {  	p1 =	seq.s32 s10, $0x1;
	s10 =	sld [smem:$0x3FB7];
	_ =	sdelay $0x3  }
0x37: {  	[smem:$0x3FB7] =	sst s10  }
0x38: {  	s10 =	sld [smem:$0x3FB8]  }
0x39: {  	_ = 	snop;
	(pc) =	sbr.ind lr, $3  }
0x3a: {  	_ = 	snop  }
0x3b: {  	_ = 	snop  }
0x3c: {  	p2 =	seq.s32 s10, $0x1;
	s10 =	sld [smem:$0x3FB7]  }
0x3d: {  	_ =	shalt  }
0x3e: {  	_ =	shalt  }
0x3f: {  	_ =	shalt  }
0x40: {  	_ =	shalt  }
0x41: {  	_ =	shalt  }
0x42: {  	_ =	shalt  }
0x43: {  	_ =	shalt  }
0x44: {  	_ =	shalt  }
0x45: {  	_ =	shalt  }
0x46: {  	_ =	shalt  }
0x47: {  	_ =	shalt  }
0x48: {  	_ =	shalt  }
0x49: {  	_ =	shalt  }
0x4a: {  	_ =	shalt  }
0x4b: {  	_ =	shalt  }
0x4c: {  	_ =	shalt  }
0x4d: {  	_ =	shalt  }
0x4e: {  	_ =	shalt  }
0x4f: {  	_ =	shalt  }
0x50: {  	_ =	shalt  }
0x51: {  	_ =	shalt  }
0x52: {  	_ =	shalt  }
0x53: {  	_ =	shalt  }
0x54: {  	_ =	shalt  }
0x55: {  	_ =	shalt  }
0x56: {  	_ =	shalt  }
0x57: {  	_ =	shalt  }
0x58: {  	_ =	shalt  }
0x59: {  	_ =	shalt  }
0x5a: {  	_ =	shalt  }
0x5b: {  	_ =	shalt  }
0x5c: {  	_ =	shalt  }
0x5d: {  	_ =	shalt  }
0x5e: {  	_ =	shalt  }
0x5f: {  	_ =	shalt  }
0x60: {  	_ =	shalt  }
0x61: {  	_ =	shalt  }
0x62: {  	_ =	shalt  }
0x63: {  	_ =	shalt  }
0x64: {  	_ =	shalt  }
0x65: {  	_ =	shalt  }
0x66: {  	_ =	shalt  }
0x67: {  	_ =	shalt  }
0x68: {  	_ =	shalt  }
0x69: {  	_ =	shalt  }
0x6a: {  	_ =	shalt  }
0x6b: {  	_ =	shalt  }
0x6c: {  	_ =	shalt  }
0x6d: {  	_ =	shalt  }
0x6e: {  	_ =	shalt  }
0x6f: {  	_ =	shalt  }
0x70: {  	_ =	shalt  }
0x71: {  	_ =	shalt  }
0x72: {  	_ =	shalt  }
0x73: {  	_ =	shalt  }
0x74: {  	_ =	shalt  }
0x75: {  	_ =	shalt  }
0x76: {  	_ =	shalt  }
0x77: {  	_ =	shalt  }
0x78: {  	_ =	shalt  }
0x79: {  	_ =	shalt  }
0x7a: {  	_ =	shalt  }
0x7b: {  	_ =	shalt  }
0x7c: {  	_ =	shalt  }
0x7d: {  	_ =	shalt  }
0x7e: {  	_ =	shalt  }
0x7f: {  	_ =	shalt  }
0x80: {  	_ =	shalt  }
0x81: {  	_ =	shalt  }
0x82: {  	_ =	shalt  }
0x83: {  	_ =	shalt  }
0x84: {  	_ =	shalt  }
0x85: {  	_ =	shalt  }
0x86: {  	_ =	shalt  }
0x87: {  	_ =	shalt  }
.Lfunc_end0:
.L_simem_size_0:
called_computation.1_lowered:
.L_overlay_start_0:
0x88: {  	s2 =	sld [smem:$0x3FD9]  }
0x89: {  	s3 =	sld [smem:$0x3FFE];
	_ =	sdelay $0x1  }
0x8a: {  	s1 =	srdreg.scid  }
0x8b: {  	s0 =	sand.u32 $0x1, s1  }
0x8c: {  	s17 =	sshll.u32 s0, $0xA;
	s2 =	sadd.s32 s3, s2  }
0x8d: {  	s2 =	sadd.s32 s2, s17  }
0x8e: {  	[smem:$0x3FC3] =	sst s2  }
0x8f: {  	_ = 	snop  }
0x90: {  	s2 =	sld [smem:$0x3FC5]  }
0x91: {  	s18 =	sld [smem:$0x3FD0];
	(tm) =	ssettm $0x1  }
0x92: {  	s4 =	sld [smem:$0x3FFB];
	_ =	sdelay $0x3  }
0x93: {  	_ =	strace s4  }
0x94: {  	s4 =	sld [smem:$0x3FFC];
	_ =	sdelay $0x3  }
0x95: {  	_ =	strace s4  }
0x96: {  	s4 =	sld [smem:$0x3FFD];
	_ =	sdelay $0x3  }
0x97: {  	_ =	strace s4  }
0x98: {  	_ =	strace $0x8FFFFFFF  }
0x99: {  	s19 =	sld [smem:$0x3FDB];
	_ =	sdelay $0x1  }
0x9a: {  	s5 =	simm.s32 $_scs_section_size  }
0x9b: {  	s6 =	simm.s32 $_size__tile_overlayer_lowered;
	s7 =	simm.s32 $_tile_overlayer_lowered  }
0x9c: {  	s22 =	simm.s32 $0x1BFF;
	s21 =	sshll.u32 s7, $0x1;
	s4 =	sadd.s32 s5, s19  }
0x9d: {  	s8 =	simm.s32 $0x0;
	s20 =	sshll.u32 s6, $0x1;
	s6 =	sadd.s32 s21, s4  }
0x9e: {  	[timem:s8], [sflag:s22] =	dma.local [hbm:s6], s20  }
0x9f: {  	_ =	swait.ge [sflag:s22], s20  }
0xa0: {  	s5 =	ssub.s32 $0x0, s20;
	[sflag:s22] =	ssyncset.done $0x0  }
0xa1: {  	[sflag:s22] =	ssyncadd.s32 s5;
	_ =	sdelay $0x1  }
0xa2: {  	s23 =	simm.s32 $0x1B8B  }
0xa3: {  	_ =	swait.ge [sflag:s23], $0x1  }
0xa4: {  	[sflag:s23] =	ssyncset.done $0x0  }
0xa5: {  	s25 =	simm.s32 $0x1B8E;
	s24 =	sld [smem:$0x3FFE];
	[sflag:s23] =	ssyncadd.s32 $0xFFFFFFFF  }
0xa6: {  	s26 =	simm.s32 $execute0_lowered;
	[smem:$0x3FD2] =	sst s25  }
0xa7: {  	s6 =	sshll.u32 s26, $0x1;
	_ =	strace $0x80000049;
	[dreg:$0x1] =	wrdreg $0xFFFFFFFF  }
0xa8: {  	s28 =	simm.s32 $_size_execute0_lowered;
	s4 =	sadd.s32 s4, s6;
	[dreg:$0x0] =	wrdreg $0x0  }
0xa9: {  	s6 =	sshll.u32 s28, $0x1;
	[dreg:$0x2] =	wrdreg s4  }
0xaa: {  	[dreg:$0x3] =	wrdreg s6  }
0xab: {  	[dreg:$0x4] =	wrdreg $0xC0  }
0xac: {  	_ =	task [dreg:s8], $0x5FFFF  }
0xad: {  	[dreg:$0x1] =	wrdreg $0xFFFFFFFF  }
0xae: {  	[dreg:$0x0] =	wrdreg $0x60  }
0xaf: {  	[dreg:$0x2] =	wrdreg s24  }
0xb0: {  	[dreg:$0x3] =	wrdreg s2  }
0xb1: {  	[dreg:$0x4] =	wrdreg s18  }
0xb2: {  	[dreg:$0x5] =	wrdreg $0x9  }
0xb3: {  	_ =	task.clear_ibuf [dreg:s8], $0x6FFFF;
	_ =	strace $0x90000049  }
0xb4: {  	s29 =	simm.s32 $0x9;
	_ =	strace $0x8000004B  }
0xb5: {  	_ =	swait.ge [sflag:s29], $0x1  }
0xb6: {  	[sflag:s29] =	ssyncadd.s32 $0xFFFFFFFF  }
0xb7: {  	_ =	strace $0x9000004B  }
0xb8: {  	_ =	sfence  }
0xb9: {  	s30 =	sld [smem:$0x0];
	_ =	sdelay $0x2  }
0xba: {  	s31 =	sshll.u32 s1, $0xD;
	s1 =	sshrl.u32 s1, $0x2  }
0xbb: {  	s3 =	sand.u32 $0x4000, s31;
	s1 =	sadd.s32 s1, s30  }
0xbc: {  	s0 =	sor.u32 s3, s0;
	s1 =	sshll.u32 s1, $0x11  }
0xbd: {  	s0 =	sor.u32 s1, s0  }
0xbe: {  	s0 =	sadd.s32 $0x8F2B, s0  }
0xbf: {  	[sflag:s0] =	ssyncadd.remote.s32 $0x1  }
0xc0: {  	_ =	sfence.sel $0xFFFF  }
0xc1: {  	[dreg:$0x0] =	wrdreg $0xFFFFFFFF;
	(pc) =	sbr.abs _section_cstart, $3  }
0xc2: {  	[dreg:$0x1] =	wrdreg $0xFFFFFFFF  }
0xc3: {  	_ =	task.clear_ibuf [dreg:s8], $0x2FFFF;
	_ =	strace $0x9FFFFFFF  }
0xc4: {  	(tm) =	ssettm $0x7FFFFFFF  }
0xc5: {  	_ =	shalt  }
tec
execute0_lowered:
.L_overlay_start_1:
0x0: {  	(tag) =	ssettag $0x1  }
0x1: {  	s5 =	rddreg [dreg:$0x0]  }
0x2: {  	s1 =	rddreg [dreg:$0x1]  }
0x3: {  	s8 =	rddreg [dreg:$0x2]  }
0x4: {  	s0 =	rddreg [dreg:$0x3];
	s4 =	srdreg.scid  }
0x5: {  	s3 =	simm.s32 $0x0;
	s2 =	stileid.u32;
	s11 =	simm.s32 $0x1000  }
0x6: {  	s12 =	simm.s32 $0x3;
	s13 =	simm.s32 $0x2610;
	s14 =	simm.s32 $0x2690  }
0x7: {  	s15 =	simm.s32 $0x2600;
	s16 =	simm.s32 $0x1A0;
	s17 =	simm.s32 $0x2710  }
0x8: {  	s18 =	simm.s32 $0x2A50;
	s19 =	simm.s32 $0x28B0;
	s20 =	simm.s32 $0x4450  }
0x9: {  	s21 =	simm.s32 $0x1;
	s22 =	simm.s32 $0x2;
	s23 =	simm.s32 $0x5E50  }
0xa: {  	s24 =	simm.s32 $0x0;
	s4 =	sand.u32 $0x1, s4;
	[smem:$0x7FF] =	sst s3  }
0xb: {  	s6 =	sshll.u32 s2, $0x5;
	s7 =	sshll.u32 s4, $0x4;
	s30 =	ssub.s32 $0x2, s4  }
0xc: {  	v0 =	vlaneseq.u32;
	_ =	strace $0x8000004A;
	s9 =	sor.u32 s7, s6;
	s31 =	sshrl.u32 s30, $0x1  }
0xd: {  	v1 =	vor.u32 $0x10, v0;
	v2 =	vmul.u32 $0x10, v0;
	s4 =	sadd.s32 $0xE000, s5;
	s7 =	sadd.s32 s9, s5;
	s10 =	ssub.s32 s30, s31  }
0xe: {  	v3 =	vor.u32 $0x20, v0;
	v4 =	vor.u32 $0x30, v0;
	v5 =	vor.u32 $0x40, v0;
	s8 =	sadd.s32 s8, s9;
	s5 =	sadd.s32 $0x1200, s7;
	s6 =	sadd.s32 $0xDC00, s7  }
0xf: {  	v6 =	vor.u32 $0x50, v0;
	v7 =	vor.u32 $0x60, v0;
	v8 =	vor.u32 $0x70, v0;
	s7 =	sadd.s32 $0xDE00, s7;
	s9 =	smax.u32 s10, $0x1;
	s10 =	simm.s32 $0x80  }
.LBB2_1:
0x10: {  	[tilespmem:s3], [sflag:$0x3] =	stream.strided.gather [hbm4b:s5+s10], $0x2600, s11, s10, $0x38;
	[tilespmem:$0x5ED0] =	vst v63  }
0x11: {  	_ =	swait.ge [sflag:s12], $0x2600  }
0x12: {  	[sflag:s12] =	ssyncset.done $0x0  }
0x13: {  	[sflag:s12] =	ssyncadd.s32 $0xFFFFDA00  }
0x14: {  	[tilespmem:s13], [sflag:$0x3] =	stream.linear.gather [hbm4b:s6+s3], $0x80, $0x38;
	[tilespmem:$0x5ED0] =	vst v63  }
0x15: {  	_ =	swait.ge [sflag:s12], $0x80  }
0x16: {  	[sflag:s12] =	ssyncset.done $0x0  }
0x17: {  	[sflag:s12] =	ssyncadd.s32 $0xFFFFFF80  }
0x18: {  	[tilespmem:s14], [sflag:$0x3] =	stream.linear.gather [hbm4b:s7+s3], $0x80, $0x38;
	[tilespmem:$0x5ED0] =	vst v63  }
0x19: {  	_ =	swait.ge [sflag:s12], $0x80  }
0x1a: {  	s25 =	simm.s32 $0x0;
	[sflag:s12] =	ssyncset.done $0x0  }
0x1b: {  	v9 =	vor.u32 s25, v0;
	[sflag:s12] =	ssyncadd.s32 $0xFFFFFF80  }
0x1c: {  	[tilespmem:s15], [sflag:$0x3] =	stream.linear.gather [hbm4b:s1+s3], $0x10, $0x38;
	[tilespmem:$0x5ED0] =	vst v63  }
0x1d: {  	_ =	swait.ge [sflag:s12], $0x10  }
0x1e: {  	[sflag:s12] =	ssyncset.done $0x0  }
0x1f: {  	[sflag:s12] =	ssyncadd.s32 $0xFFFFFFF0  }
0x20: {  	v9 =	vld.idx.msk [tilespmem:v9+s3+$0x0], $0xffff;
	_ =	sdelay $0x1  }
0x21: {  	s31 =	simm.s32 $0x80  }
0x22: {  	v10 =	vor.u32 s31, v0;
	_ =	sdelay $0x1  }
0x23: {  	v11 =	vshrl.u32 v9, $0x4  }
0x24: {  	v11 =	vadd.s32 s3, v11  }
0x25: {  	v9 =	vld [tilespmem:$0x2600];
	[tilespmem:s17+$0x0] =	vst v11  }
0x26: {  	v10 =	vld.idx.msk [tilespmem:v10+s3+$0x0], $0xffff  }
0x27: {  	s29 =	simm.s32 $0x100  }
0x28: {  	s28 =	simm.s32 $0x3;
	s26 =	simm.s32 $0x0;
	s25 =	simm.s32 $0x2710  }
.LBB2_2:
0x29: {  	p0 =	sne.s32 s28, $0x19;
	v11 =	vor.u32 s29, v0;
	_ =	sdelay $0x1  }
0x2a: {  	s26 =	sadd.s32 $0x1880, s26;
	v10 =	vshrl.u32 v10, $0x4  }
0x2b: {  	s25 =	sadd.s32 $0x10, s25;
	v10 =	vadd.s32 s26, v10  }
.Ltmp0:
0x2c: {  	[tilespmem:s25+$0x0] =	vst v10;
	(pc) =	sbr.rel @p0 .LBB2_2-.Ltmp0, $2  }
0x2d: {  	v10 =	vld.idx.msk [tilespmem:v11+s3+$0x0], $0xffff;
	_ =	sdelay $0x2  }
0x2e: {  	s29 =	sshll.u32 s28, $0x7;
	s28 =	sadd.s32 $0x1, s28  }
0x2f: {  	v11 =	vor.u32 s29, v0;
	_ =	sdelay $0x1  }
0x30: {  	s26 =	sadd.s32 $0x1880, s26;
	v10 =	vshrl.u32 v10, $0x4  }
0x31: {  	s25 =	sadd.s32 $0x10, s25;
	v10 =	vadd.s32 s26, v10  }
0x32: {  	[tilespmem:s25+$0x0] =	vst v10  }
0x33: {  	v10 =	vld.idx.msk [tilespmem:v11+s3+$0x0], $0xffff;
	_ =	sdelay $0x2  }
0x34: {  	s28 =	simm.s32 $0x0  }
0x35: {  	v11 =	vor.u32 s28, v1  }
0x36: {  	s26 =	sadd.s32 $0x1880, s26;
	v10 =	vshrl.u32 v10, $0x4  }
0x37: {  	s25 =	sadd.s32 $0x10, s25;
	v10 =	vadd.s32 s26, v10  }
0x38: {  	[tilespmem:s25+$0x0] =	vst v10  }
0x39: {  	[tilespmem:s18], [sflag:$0x1] =	stream.indirect.gather [hbm4b:s4+s16], $0x10, s17, s16, $0xb8;
	[tilespmem:$0x5ED0] =	vst v63  }
0x3a: {  	v10 =	vld.idx.msk [tilespmem:v11+s3+$0x0], $0xffff;
	_ =	sdelay $0x1  }
0x3b: {  	s31 =	simm.s32 $0x80  }
0x3c: {  	v11 =	vor.u32 s31, v1;
	_ =	sdelay $0x1  }
0x3d: {  	s25 =	simm.s32 $0x0;
	v10 =	vshrl.u32 v10, $0x4  }
0x3e: {  	s26 =	simm.s32 $0x28B0;
	v10 =	vadd.s32 s25, v10  }
0x3f: {  	[tilespmem:s26+$0x0] =	vst v10  }
0x40: {  	v10 =	vld.idx.msk [tilespmem:v11+s3+$0x0], $0xffff;
	_ =	sdelay $0x1  }
0x41: {  	s29 =	simm.s32 $0x100;
	s28 =	simm.s32 $0x3  }
.LBB2_4:
0x42: {  	p0 =	sne.s32 s28, $0x19;
	v11 =	vor.u32 s29, v1;
	_ =	sdelay $0x1  }
0x43: {  	s25 =	sadd.s32 $0x1880, s25;
	v10 =	vshrl.u32 v10, $0x4  }
0x44: {  	s26 =	sadd.s32 $0x10, s26;
	v10 =	vadd.s32 s25, v10  }
.Ltmp1:
0x45: {  	[tilespmem:s26+$0x0] =	vst v10;
	(pc) =	sbr.rel @p0 .LBB2_4-.Ltmp1, $2  }
0x46: {  	v10 =	vld.idx.msk [tilespmem:v11+s3+$0x0], $0xffff;
	_ =	sdelay $0x2  }
0x47: {  	s29 =	sshll.u32 s28, $0x7;
	s28 =	sadd.s32 $0x1, s28  }
0x48: {  	v11 =	vor.u32 s29, v1;
	_ =	sdelay $0x1  }
0x49: {  	s25 =	sadd.s32 $0x1880, s25;
	v10 =	vshrl.u32 v10, $0x4  }
0x4a: {  	s26 =	sadd.s32 $0x10, s26;
	v10 =	vadd.s32 s25, v10  }
0x4b: {  	[tilespmem:s26+$0x0] =	vst v10  }
0x4c: {  	v10 =	vld.idx.msk [tilespmem:v11+s3+$0x0], $0xffff;
	_ =	sdelay $0x4  }
0x4d: {  	s25 =	sadd.s32 $0x1880, s25;
	v10 =	vshrl.u32 v10, $0x4  }
0x4e: {  	s31 =	simm.s32 $0x0;
	s30 =	sadd.s32 $0x10, s26;
	v10 =	vadd.s32 s25, v10  }
0x4f: {  	[tilespmem:s30+$0x0] =	vst v10;
	v10 =	vor.u32 s31, v0  }
0x50: {  	[tilespmem:s20], [sflag:$0x2] =	stream.indirect.gather [hbm4b:s4+s16], $0x10, s19, s16, $0xb8;
	[tilespmem:$0x5ED0] =	vst v63  }
0x51: {  	_ =	swait.ge [sflag:s21], $0x1A00  }
0x52: {  	[sflag:s21] =	ssyncset.done $0x0  }
0x53: {  	s26 =	simm.s32 $0x80;
	[sflag:s21] =	ssyncadd.s32 $0xFFFFE600  }
0x54: {  	v11 =	vor.u32 s26, v0;
	v10 =	vld.idx.msk [tilespmem:v10+s3+$0x0], $0xffff;
	_ =	sdelay $0x1  }
0x55: {  	s28 =	simm.s32 $0x0  }
0x56: {  	v12 =	vmov s28  }
0x57: {  	s29 =	simm.s32 $0x100;
	v12 =	vshll.u32 v12, $0x4  }
0x58: {  	v13 =	vor.u32 s29, v0;
	v12 =	vor.u32 v2, v12;
	v11 =	vld.idx.msk [tilespmem:v11+s3+$0x0], $0xffff;
	v10 =	vand.u32 $0xF, v10  }
0x59: {  	v12 =	vor.u32 v12, v10  }
0x5a: {  	s30 =	simm.s32 $0x10  }
0x5b: {  	v10 =	vmov s30  }
0x5c: {  	s31 =	simm.s32 $0x180;
	v10 =	vshll.u32 v10, $0x4  }
0x5d: {  	v14 =	vor.u32 s31, v0;
	v13 =	vld.idx.msk [tilespmem:v13+s3+$0x0], $0xffff;
	v16 =	vand.u32 $0xF, v11;
	v15 =	vor.u32 v2, v10  }
0x5e: {  	v11 =	vld.idx.msk [tilespmem:v12+s18+$0x0], $0xffff;
	v12 =	vor.u32 v15, v16;
	_ =	sdelay $0x1  }
0x5f: {  	s26 =	simm.s32 $0x4;
	s25 =	simm.s32 $0x20;
	v10 =	vimm.f32 $0.0e+00  }
.LBB2_6:
0x60: {  	s28 =	sshll.u32 s26, $0x7;
	v15 =	vmov s25;
	p0 =	sne.s32 s26, $0x19  }
.Ltmp2:
0x61: {  	v16 =	vmov v13;
	v15 =	vshll.u32 v15, $0x4;
	v13 =	vld.idx.msk [tilespmem:v14+s3+$0x0], $0xffff;
	v14 =	vor.u32 s28, v0;
	(pc) =	sbr.rel @p0 .LBB2_6-.Ltmp2, $3  }
0x62: {  	s26 =	sadd.s32 $0x1, s26;
	v16 =	vand.u32 $0xF, v16;
	v10 =	vadd.f32 v11, v10;
	v15 =	vor.u32 v2, v15;
	v11 =	vld.idx.msk [tilespmem:v12+s18+$0x0], $0xffff  }
0x63: {  	v12 =	vor.u32 v15, v16;
	_ =	sdelay $0x1  }
0x64: {  	s25 =	sadd.s32 $0x10, s25  }
0x65: {  	_ = 	snop  }
0x66: {  	v15 =	vld [tilespmem:$0x2690];
	_ =	sdelay $0x2  }
0x67: {  	v14 =	vld.idx.msk [tilespmem:v14+s3+$0x0], $0xffff  }
0x68: {  	v16 =	vmov s25  }
0x69: {  	s26 =	sadd.s32 $0x10, s25;
	v16 =	vshll.u32 v16, $0x4;
	v15 =	vsub.f32 $5.000000000e+01, v15  }
0x6a: {  	v13 =	vand.u32 $0xF, v13;
	v17 =	vmov s26;
	v16 =	vor.u32 v2, v16  }
0x6b: {  	v61 =	vshll.u32 v17, $0x4;
	v13 =	vor.u32 v16, v13;
	v15 =	vadd.f32 $9.999999930e-09, v15  }
0x6c: {  	v16 =	vor.u32 v2, v61;
	v14 =	vand.u32 $0xF, v14  }
0x6d: {  	v14 =	vor.u32 v16, v14;
	(erf) = vrcp.f32 v15  }
0x6e: {  	v12 =	vld.idx.msk [tilespmem:v12+s18+$0x0], $0xffff;
	_ =	sdelay $0x1  }
0x6f: {  	v13 =	vld.idx.msk [tilespmem:v13+s18+$0x0], $0xffff  }
0x70: {  	v62 =	vld [tilespmem:$0x2610];
	v10 =	vadd.f32 v11, v10  }
0x71: {  	v11 =	vld.idx.msk [tilespmem:v14+s18+$0x0], $0xffff  }
0x72: {  	v10 =	vadd.f32 v12, v10;
	_ =	sdelay $0x1  }
0x73: {  	v10 =	vadd.f32 v13, v10  }
0x74: {  	v63 =	vpop (erf)  }
0x75: {  	v10 =	vadd.f32 v11, v10;
	v11 =	vmul.f32 v63, v62;
	_ =	sdelay $0x1  }
0x76: {  	v10 =	vadd.f32 v11, v10;
	_ =	sdelay $0x1  }
0x77: {  	v10 =	vadd.f32 v10, v9;
	_ =	sdelay $0x1  }
0x78: {  	v10 =	vsub.f32 $0.0e+00, v10;
	_ =	sdelay $0x1  }
0x79: {  	v10 =	vmul.f32 $1.442695020e+00, v10;
	_ =	sdelay $0x1  }
0x7a: {  	(erf) = vpow2.f32 v10;
	_ =	sdelay $0x8  }
0x7b: {  	v10 =	vpop (erf)  }
0x7c: {  	v10 =	vadd.f32 $1.000000000e+00, v10;
	_ =	sdelay $0x1  }
0x7d: {  	(erf) = vrcp.f32 v10;
	_ =	sdelay $0x4  }
0x7e: {  	s30 =	simm.s32 $0x0  }
0x7f: {  	v10 =	vor.u32 s30, v3;
	_ =	sdelay $0x2  }
0x80: {  	v11 =	vpop (erf)  }
0x81: {  	[tilespmem:$0x5E50] =	vst v11  }
0x82: {  	v10 =	vld.idx.msk [tilespmem:v10+s3+$0x0], $0xffff;
	_ =	sdelay $0x1  }
0x83: {  	s31 =	simm.s32 $0x80  }
0x84: {  	v11 =	vor.u32 s31, v3;
	_ =	sdelay $0x1  }
0x85: {  	s25 =	simm.s32 $0x0;
	v10 =	vshrl.u32 v10, $0x4  }
0x86: {  	s26 =	simm.s32 $0x2710;
	v10 =	vadd.s32 s25, v10  }
0x87: {  	[tilespmem:s26+$0x0] =	vst v10  }
0x88: {  	v10 =	vld.idx.msk [tilespmem:v11+s3+$0x0], $0xffff;
	_ =	sdelay $0x1  }
0x89: {  	s29 =	simm.s32 $0x100;
	s28 =	simm.s32 $0x3  }
.LBB2_8:
0x8a: {  	p0 =	sne.s32 s28, $0x19;
	v11 =	vor.u32 s29, v3;
	_ =	sdelay $0x1  }
0x8b: {  	s25 =	sadd.s32 $0x1880, s25;
	v10 =	vshrl.u32 v10, $0x4  }
0x8c: {  	s26 =	sadd.s32 $0x10, s26;
	v10 =	vadd.s32 s25, v10  }
.Ltmp3:
0x8d: {  	[tilespmem:s26+$0x0] =	vst v10;
	(pc) =	sbr.rel @p0 .LBB2_8-.Ltmp3, $2  }
0x8e: {  	v10 =	vld.idx.msk [tilespmem:v11+s3+$0x0], $0xffff;
	_ =	sdelay $0x2  }
0x8f: {  	s29 =	sshll.u32 s28, $0x7;
	s28 =	sadd.s32 $0x1, s28  }
0x90: {  	v11 =	vor.u32 s29, v3;
	_ =	sdelay $0x1  }
0x91: {  	s25 =	sadd.s32 $0x1880, s25;
	v10 =	vshrl.u32 v10, $0x4  }
0x92: {  	s26 =	sadd.s32 $0x10, s26;
	v10 =	vadd.s32 s25, v10  }
0x93: {  	[tilespmem:s26+$0x0] =	vst v10  }
0x94: {  	v10 =	vld.idx.msk [tilespmem:v11+s3+$0x0], $0xffff;
	_ =	sdelay $0x4  }
0x95: {  	s25 =	sadd.s32 $0x1880, s25;
	v10 =	vshrl.u32 v10, $0x4  }
0x96: {  	s31 =	simm.s32 $0x0;
	s30 =	sadd.s32 $0x10, s26;
	v10 =	vadd.s32 s25, v10  }
0x97: {  	[tilespmem:s30+$0x0] =	vst v10;
	v10 =	vor.u32 s31, v1  }
0x98: {  	[tilespmem:s18], [sflag:$0x1] =	stream.indirect.gather [hbm4b:s4+s16], $0x10, s17, s16, $0xb8;
	[tilespmem:$0x5ED0] =	vst v63  }
0x99: {  	_ =	swait.ge [sflag:s22], $0x1A00  }
0x9a: {  	[sflag:s22] =	ssyncset.done $0x0  }
0x9b: {  	s26 =	simm.s32 $0x80;
	[sflag:s22] =	ssyncadd.s32 $0xFFFFE600  }
0x9c: {  	v11 =	vor.u32 s26, v1;
	v10 =	vld.idx.msk [tilespmem:v10+s3+$0x0], $0xffff;
	_ =	sdelay $0x1  }
0x9d: {  	s28 =	simm.s32 $0x0  }
0x9e: {  	v12 =	vmov s28  }
0x9f: {  	s29 =	simm.s32 $0x100;
	v12 =	vshll.u32 v12, $0x4  }
0xa0: {  	v13 =	vor.u32 s29, v1;
	v12 =	vor.u32 v2, v12;
	v11 =	vld.idx.msk [tilespmem:v11+s3+$0x0], $0xffff;
	v10 =	vand.u32 $0xF, v10  }
0xa1: {  	v12 =	vor.u32 v12, v10  }
0xa2: {  	s30 =	simm.s32 $0x10  }
0xa3: {  	v10 =	vmov s30  }
0xa4: {  	s31 =	simm.s32 $0x180;
	v10 =	vshll.u32 v10, $0x4  }
0xa5: {  	v14 =	vor.u32 s31, v1;
	v13 =	vld.idx.msk [tilespmem:v13+s3+$0x0], $0xffff;
	v16 =	vand.u32 $0xF, v11;
	v15 =	vor.u32 v2, v10  }
0xa6: {  	v11 =	vld.idx.msk [tilespmem:v12+s20+$0x0], $0xffff;
	v12 =	vor.u32 v15, v16;
	_ =	sdelay $0x1  }
0xa7: {  	s26 =	simm.s32 $0x4;
	s25 =	simm.s32 $0x20;
	v10 =	vimm.f32 $0.0e+00  }
.LBB2_10:
0xa8: {  	s28 =	sshll.u32 s26, $0x7;
	v15 =	vmov s25;
	p0 =	sne.s32 s26, $0x19  }
.Ltmp4:
0xa9: {  	v16 =	vmov v13;
	v15 =	vshll.u32 v15, $0x4;
	v13 =	vld.idx.msk [tilespmem:v14+s3+$0x0], $0xffff;
	v14 =	vor.u32 s28, v1;
	(pc) =	sbr.rel @p0 .LBB2_10-.Ltmp4, $3  }
0xaa: {  	s26 =	sadd.s32 $0x1, s26;
	v16 =	vand.u32 $0xF, v16;
	v10 =	vadd.f32 v11, v10;
	v15 =	vor.u32 v2, v15;
	v11 =	vld.idx.msk [tilespmem:v12+s20+$0x0], $0xffff  }
0xab: {  	v12 =	vor.u32 v15, v16;
	_ =	sdelay $0x1  }
0xac: {  	s25 =	sadd.s32 $0x10, s25  }
0xad: {  	_ = 	snop  }
0xae: {  	v15 =	vld [tilespmem:$0x26A0];
	_ =	sdelay $0x2  }
0xaf: {  	v14 =	vld.idx.msk [tilespmem:v14+s3+$0x0], $0xffff  }
0xb0: {  	v16 =	vmov s25  }
0xb1: {  	s26 =	sadd.s32 $0x10, s25;
	v16 =	vshll.u32 v16, $0x4;
	v15 =	vsub.f32 $5.000000000e+01, v15  }
0xb2: {  	v13 =	vand.u32 $0xF, v13;
	v17 =	vmov s26;
	v16 =	vor.u32 v2, v16  }
0xb3: {  	v61 =	vshll.u32 v17, $0x4;
	v13 =	vor.u32 v16, v13;
	v15 =	vadd.f32 $9.999999930e-09, v15  }
0xb4: {  	v16 =	vor.u32 v2, v61;
	v14 =	vand.u32 $0xF, v14  }
0xb5: {  	v14 =	vor.u32 v16, v14;
	(erf) = vrcp.f32 v15  }
0xb6: {  	v12 =	vld.idx.msk [tilespmem:v12+s20+$0x0], $0xffff;
	_ =	sdelay $0x1  }
0xb7: {  	v13 =	vld.idx.msk [tilespmem:v13+s20+$0x0], $0xffff  }
0xb8: {  	v62 =	vld [tilespmem:$0x2620];
	v10 =	vadd.f32 v11, v10  }
0xb9: {  	v11 =	vld.idx.msk [tilespmem:v14+s20+$0x0], $0xffff  }
0xba: {  	v10 =	vadd.f32 v12, v10;
	_ =	sdelay $0x1  }
0xbb: {  	v10 =	vadd.f32 v13, v10  }
0xbc: {  	v63 =	vpop (erf)  }
0xbd: {  	v10 =	vadd.f32 v11, v10;
	v11 =	vmul.f32 v63, v62;
	_ =	sdelay $0x1  }
0xbe: {  	v10 =	vadd.f32 v11, v10;
	_ =	sdelay $0x1  }
0xbf: {  	v10 =	vadd.f32 v10, v9;
	_ =	sdelay $0x1  }
0xc0: {  	v10 =	vsub.f32 $0.0e+00, v10;
	_ =	sdelay $0x1  }
0xc1: {  	v10 =	vmul.f32 $1.442695020e+00, v10;
	_ =	sdelay $0x1  }
0xc2: {  	(erf) = vpow2.f32 v10;
	_ =	sdelay $0x8  }
0xc3: {  	v10 =	vpop (erf)  }
0xc4: {  	v10 =	vadd.f32 $1.000000000e+00, v10;
	_ =	sdelay $0x1  }
0xc5: {  	(erf) = vrcp.f32 v10;
	_ =	sdelay $0x4  }
0xc6: {  	s30 =	simm.s32 $0x0  }
0xc7: {  	v10 =	vor.u32 s30, v4;
	_ =	sdelay $0x2  }
0xc8: {  	v11 =	vpop (erf)  }
0xc9: {  	[tilespmem:$0x5E60] =	vst v11  }
0xca: {  	v10 =	vld.idx.msk [tilespmem:v10+s3+$0x0], $0xffff;
	_ =	sdelay $0x1  }
0xcb: {  	s31 =	simm.s32 $0x80  }
0xcc: {  	v11 =	vor.u32 s31, v4;
	_ =	sdelay $0x1  }
0xcd: {  	s25 =	simm.s32 $0x0;
	v10 =	vshrl.u32 v10, $0x4  }
0xce: {  	s26 =	simm.s32 $0x28B0;
	v10 =	vadd.s32 s25, v10  }
0xcf: {  	[tilespmem:s26+$0x0] =	vst v10  }
0xd0: {  	v10 =	vld.idx.msk [tilespmem:v11+s3+$0x0], $0xffff;
	_ =	sdelay $0x1  }
0xd1: {  	s29 =	simm.s32 $0x100;
	s28 =	simm.s32 $0x3  }
.LBB2_12:
0xd2: {  	p0 =	sne.s32 s28, $0x19;
	v11 =	vor.u32 s29, v4;
	_ =	sdelay $0x1  }
0xd3: {  	s25 =	sadd.s32 $0x1880, s25;
	v10 =	vshrl.u32 v10, $0x4  }
0xd4: {  	s26 =	sadd.s32 $0x10, s26;
	v10 =	vadd.s32 s25, v10  }
.Ltmp5:
0xd5: {  	[tilespmem:s26+$0x0] =	vst v10;
	(pc) =	sbr.rel @p0 .LBB2_12-.Ltmp5, $2  }
0xd6: {  	v10 =	vld.idx.msk [tilespmem:v11+s3+$0x0], $0xffff;
	_ =	sdelay $0x2  }
0xd7: {  	s29 =	sshll.u32 s28, $0x7;
	s28 =	sadd.s32 $0x1, s28  }
0xd8: {  	v11 =	vor.u32 s29, v4;
	_ =	sdelay $0x1  }
0xd9: {  	s25 =	sadd.s32 $0x1880, s25;
	v10 =	vshrl.u32 v10, $0x4  }
0xda: {  	s26 =	sadd.s32 $0x10, s26;
	v10 =	vadd.s32 s25, v10  }
0xdb: {  	[tilespmem:s26+$0x0] =	vst v10  }
0xdc: {  	v10 =	vld.idx.msk [tilespmem:v11+s3+$0x0], $0xffff;
	_ =	sdelay $0x4  }
0xdd: {  	s25 =	sadd.s32 $0x1880, s25;
	v10 =	vshrl.u32 v10, $0x4  }
0xde: {  	s31 =	simm.s32 $0x0;
	s30 =	sadd.s32 $0x10, s26;
	v10 =	vadd.s32 s25, v10  }
0xdf: {  	[tilespmem:s30+$0x0] =	vst v10;
	v10 =	vor.u32 s31, v3  }
0xe0: {  	[tilespmem:s20], [sflag:$0x2] =	stream.indirect.gather [hbm4b:s4+s16], $0x10, s19, s16, $0xb8;
	[tilespmem:$0x5ED0] =	vst v63  }
0xe1: {  	_ =	swait.ge [sflag:s21], $0x1A00  }
0xe2: {  	[sflag:s21] =	ssyncset.done $0x0  }
0xe3: {  	s26 =	simm.s32 $0x80;
	[sflag:s21] =	ssyncadd.s32 $0xFFFFE600  }
0xe4: {  	v11 =	vor.u32 s26, v3;
	v10 =	vld.idx.msk [tilespmem:v10+s3+$0x0], $0xffff;
	_ =	sdelay $0x1  }
0xe5: {  	s28 =	simm.s32 $0x0  }
0xe6: {  	v12 =	vmov s28  }
0xe7: {  	s29 =	simm.s32 $0x100;
	v12 =	vshll.u32 v12, $0x4  }
0xe8: {  	v13 =	vor.u32 s29, v3;
	v12 =	vor.u32 v2, v12;
	v11 =	vld.idx.msk [tilespmem:v11+s3+$0x0], $0xffff;
	v10 =	vand.u32 $0xF, v10  }
0xe9: {  	v12 =	vor.u32 v12, v10  }
0xea: {  	s30 =	simm.s32 $0x10  }
0xeb: {  	v10 =	vmov s30  }
0xec: {  	s31 =	simm.s32 $0x180;
	v10 =	vshll.u32 v10, $0x4  }
0xed: {  	v14 =	vor.u32 s31, v3;
	v13 =	vld.idx.msk [tilespmem:v13+s3+$0x0], $0xffff;
	v16 =	vand.u32 $0xF, v11;
	v15 =	vor.u32 v2, v10  }
0xee: {  	v11 =	vld.idx.msk [tilespmem:v12+s18+$0x0], $0xffff;
	v12 =	vor.u32 v15, v16;
	_ =	sdelay $0x1  }
0xef: {  	s26 =	simm.s32 $0x4;
	s25 =	simm.s32 $0x20;
	v10 =	vimm.f32 $0.0e+00  }
.LBB2_14:
0xf0: {  	s28 =	sshll.u32 s26, $0x7;
	v15 =	vmov s25;
	p0 =	sne.s32 s26, $0x19  }
.Ltmp6:
0xf1: {  	v16 =	vmov v13;
	v15 =	vshll.u32 v15, $0x4;
	v13 =	vld.idx.msk [tilespmem:v14+s3+$0x0], $0xffff;
	v14 =	vor.u32 s28, v3;
	(pc) =	sbr.rel @p0 .LBB2_14-.Ltmp6, $3  }
0xf2: {  	s26 =	sadd.s32 $0x1, s26;
	v16 =	vand.u32 $0xF, v16;
	v10 =	vadd.f32 v11, v10;
	v15 =	vor.u32 v2, v15;
	v11 =	vld.idx.msk [tilespmem:v12+s18+$0x0], $0xffff  }
0xf3: {  	v12 =	vor.u32 v15, v16;
	_ =	sdelay $0x1  }
0xf4: {  	s25 =	sadd.s32 $0x10, s25  }
0xf5: {  	_ = 	snop  }
0xf6: {  	v15 =	vld [tilespmem:$0x26B0];
	_ =	sdelay $0x2  }
0xf7: {  	v14 =	vld.idx.msk [tilespmem:v14+s3+$0x0], $0xffff  }
0xf8: {  	v16 =	vmov s25  }
0xf9: {  	s26 =	sadd.s32 $0x10, s25;
	v16 =	vshll.u32 v16, $0x4;
	v15 =	vsub.f32 $5.000000000e+01, v15  }
0xfa: {  	v13 =	vand.u32 $0xF, v13;
	v17 =	vmov s26;
	v16 =	vor.u32 v2, v16  }
0xfb: {  	v61 =	vshll.u32 v17, $0x4;
	v13 =	vor.u32 v16, v13;
	v15 =	vadd.f32 $9.999999930e-09, v15  }
0xfc: {  	v16 =	vor.u32 v2, v61;
	v14 =	vand.u32 $0xF, v14  }
0xfd: {  	v14 =	vor.u32 v16, v14;
	(erf) = vrcp.f32 v15  }
0xfe: {  	v12 =	vld.idx.msk [tilespmem:v12+s18+$0x0], $0xffff;
	_ =	sdelay $0x1  }
0xff: {  	v13 =	vld.idx.msk [tilespmem:v13+s18+$0x0], $0xffff  }
0x100: {  	v62 =	vld [tilespmem:$0x2630];
	v10 =	vadd.f32 v11, v10  }
0x101: {  	v11 =	vld.idx.msk [tilespmem:v14+s18+$0x0], $0xffff  }
0x102: {  	v10 =	vadd.f32 v12, v10;
	_ =	sdelay $0x1  }
0x103: {  	v10 =	vadd.f32 v13, v10  }
0x104: {  	v63 =	vpop (erf)  }
0x105: {  	v10 =	vadd.f32 v11, v10;
	v11 =	vmul.f32 v63, v62;
	_ =	sdelay $0x1  }
0x106: {  	v10 =	vadd.f32 v11, v10;
	_ =	sdelay $0x1  }
0x107: {  	v10 =	vadd.f32 v10, v9;
	_ =	sdelay $0x1  }
0x108: {  	v10 =	vsub.f32 $0.0e+00, v10;
	_ =	sdelay $0x1  }
0x109: {  	v10 =	vmul.f32 $1.442695020e+00, v10;
	_ =	sdelay $0x1  }
0x10a: {  	(erf) = vpow2.f32 v10;
	_ =	sdelay $0x8  }
0x10b: {  	v10 =	vpop (erf)  }
0x10c: {  	v10 =	vadd.f32 $1.000000000e+00, v10;
	_ =	sdelay $0x1  }
0x10d: {  	(erf) = vrcp.f32 v10;
	_ =	sdelay $0x4  }
0x10e: {  	s30 =	simm.s32 $0x0  }
0x10f: {  	v10 =	vor.u32 s30, v5;
	_ =	sdelay $0x2  }
0x110: {  	v11 =	vpop (erf)  }
0x111: {  	[tilespmem:$0x5E70] =	vst v11  }
0x112: {  	v10 =	vld.idx.msk [tilespmem:v10+s3+$0x0], $0xffff;
	_ =	sdelay $0x1  }
0x113: {  	s31 =	simm.s32 $0x80  }
0x114: {  	v11 =	vor.u32 s31, v5;
	_ =	sdelay $0x1  }
0x115: {  	s25 =	simm.s32 $0x0;
	v10 =	vshrl.u32 v10, $0x4  }
0x116: {  	s26 =	simm.s32 $0x2710;
	v10 =	vadd.s32 s25, v10  }
0x117: {  	[tilespmem:s26+$0x0] =	vst v10  }
0x118: {  	v10 =	vld.idx.msk [tilespmem:v11+s3+$0x0], $0xffff;
	_ =	sdelay $0x1  }
0x119: {  	s29 =	simm.s32 $0x100;
	s28 =	simm.s32 $0x3  }
.LBB2_16:
0x11a: {  	p0 =	sne.s32 s28, $0x19;
	v11 =	vor.u32 s29, v5;
	_ =	sdelay $0x1  }
0x11b: {  	s25 =	sadd.s32 $0x1880, s25;
	v10 =	vshrl.u32 v10, $0x4  }
0x11c: {  	s26 =	sadd.s32 $0x10, s26;
	v10 =	vadd.s32 s25, v10  }
.Ltmp7:
0x11d: {  	[tilespmem:s26+$0x0] =	vst v10;
	(pc) =	sbr.rel @p0 .LBB2_16-.Ltmp7, $2  }
0x11e: {  	v10 =	vld.idx.msk [tilespmem:v11+s3+$0x0], $0xffff;
	_ =	sdelay $0x2  }
0x11f: {  	s29 =	sshll.u32 s28, $0x7;
	s28 =	sadd.s32 $0x1, s28  }
0x120: {  	v11 =	vor.u32 s29, v5;
	_ =	sdelay $0x1  }
0x121: {  	s25 =	sadd.s32 $0x1880, s25;
	v10 =	vshrl.u32 v10, $0x4  }
0x122: {  	s26 =	sadd.s32 $0x10, s26;
	v10 =	vadd.s32 s25, v10  }
0x123: {  	[tilespmem:s26+$0x0] =	vst v10  }
0x124: {  	v10 =	vld.idx.msk [tilespmem:v11+s3+$0x0], $0xffff;
	_ =	sdelay $0x4  }
0x125: {  	s25 =	sadd.s32 $0x1880, s25;
	v10 =	vshrl.u32 v10, $0x4  }
0x126: {  	s31 =	simm.s32 $0x0;
	s30 =	sadd.s32 $0x10, s26;
	v10 =	vadd.s32 s25, v10  }
0x127: {  	[tilespmem:s30+$0x0] =	vst v10;
	v10 =	vor.u32 s31, v4  }
0x128: {  	[tilespmem:s18], [sflag:$0x1] =	stream.indirect.gather [hbm4b:s4+s16], $0x10, s17, s16, $0xb8;
	[tilespmem:$0x5ED0] =	vst v63  }
0x129: {  	_ =	swait.ge [sflag:s22], $0x1A00  }
0x12a: {  	[sflag:s22] =	ssyncset.done $0x0  }
0x12b: {  	s26 =	simm.s32 $0x80;
	[sflag:s22] =	ssyncadd.s32 $0xFFFFE600  }
0x12c: {  	v11 =	vor.u32 s26, v4;
	v10 =	vld.idx.msk [tilespmem:v10+s3+$0x0], $0xffff;
	_ =	sdelay $0x1  }
0x12d: {  	s28 =	simm.s32 $0x0  }
0x12e: {  	v12 =	vmov s28  }
0x12f: {  	s29 =	simm.s32 $0x100;
	v12 =	vshll.u32 v12, $0x4  }
0x130: {  	v13 =	vor.u32 s29, v4;
	v12 =	vor.u32 v2, v12;
	v11 =	vld.idx.msk [tilespmem:v11+s3+$0x0], $0xffff;
	v10 =	vand.u32 $0xF, v10  }
0x131: {  	v12 =	vor.u32 v12, v10  }
0x132: {  	s30 =	simm.s32 $0x10  }
0x133: {  	v10 =	vmov s30  }
0x134: {  	s31 =	simm.s32 $0x180;
	v10 =	vshll.u32 v10, $0x4  }
0x135: {  	v14 =	vor.u32 s31, v4;
	v13 =	vld.idx.msk [tilespmem:v13+s3+$0x0], $0xffff;
	v16 =	vand.u32 $0xF, v11;
	v15 =	vor.u32 v2, v10  }
0x136: {  	v11 =	vld.idx.msk [tilespmem:v12+s20+$0x0], $0xffff;
	v12 =	vor.u32 v15, v16;
	_ =	sdelay $0x1  }
0x137: {  	s26 =	simm.s32 $0x4;
	s25 =	simm.s32 $0x20;
	v10 =	vimm.f32 $0.0e+00  }
.LBB2_18:
0x138: {  	s28 =	sshll.u32 s26, $0x7;
	v15 =	vmov s25;
	p0 =	sne.s32 s26, $0x19  }
.Ltmp8:
0x139: {  	v16 =	vmov v13;
	v15 =	vshll.u32 v15, $0x4;
	v13 =	vld.idx.msk [tilespmem:v14+s3+$0x0], $0xffff;
	v14 =	vor.u32 s28, v4;
	(pc) =	sbr.rel @p0 .LBB2_18-.Ltmp8, $3  }
0x13a: {  	s26 =	sadd.s32 $0x1, s26;
	v16 =	vand.u32 $0xF, v16;
	v10 =	vadd.f32 v11, v10;
	v15 =	vor.u32 v2, v15;
	v11 =	vld.idx.msk [tilespmem:v12+s20+$0x0], $0xffff  }
0x13b: {  	v12 =	vor.u32 v15, v16;
	_ =	sdelay $0x1  }
0x13c: {  	s25 =	sadd.s32 $0x10, s25  }
0x13d: {  	_ = 	snop  }
0x13e: {  	v15 =	vld [tilespmem:$0x26C0];
	_ =	sdelay $0x2  }
0x13f: {  	v14 =	vld.idx.msk [tilespmem:v14+s3+$0x0], $0xffff  }
0x140: {  	v16 =	vmov s25  }
0x141: {  	s26 =	sadd.s32 $0x10, s25;
	v16 =	vshll.u32 v16, $0x4;
	v15 =	vsub.f32 $5.000000000e+01, v15  }
0x142: {  	v13 =	vand.u32 $0xF, v13;
	v17 =	vmov s26;
	v16 =	vor.u32 v2, v16  }
0x143: {  	v61 =	vshll.u32 v17, $0x4;
	v13 =	vor.u32 v16, v13;
	v15 =	vadd.f32 $9.999999930e-09, v15  }
0x144: {  	v16 =	vor.u32 v2, v61;
	v14 =	vand.u32 $0xF, v14  }
0x145: {  	v14 =	vor.u32 v16, v14;
	(erf) = vrcp.f32 v15  }
0x146: {  	v12 =	vld.idx.msk [tilespmem:v12+s20+$0x0], $0xffff;
	_ =	sdelay $0x1  }
0x147: {  	v13 =	vld.idx.msk [tilespmem:v13+s20+$0x0], $0xffff  }
0x148: {  	v62 =	vld [tilespmem:$0x2640];
	v10 =	vadd.f32 v11, v10  }
0x149: {  	v11 =	vld.idx.msk [tilespmem:v14+s20+$0x0], $0xffff  }
0x14a: {  	v10 =	vadd.f32 v12, v10;
	_ =	sdelay $0x1  }
0x14b: {  	v10 =	vadd.f32 v13, v10  }
0x14c: {  	v63 =	vpop (erf)  }
0x14d: {  	v10 =	vadd.f32 v11, v10;
	v11 =	vmul.f32 v63, v62;
	_ =	sdelay $0x1  }
0x14e: {  	v10 =	vadd.f32 v11, v10;
	_ =	sdelay $0x1  }
0x14f: {  	v10 =	vadd.f32 v10, v9;
	_ =	sdelay $0x1  }
0x150: {  	v10 =	vsub.f32 $0.0e+00, v10;
	_ =	sdelay $0x1  }
0x151: {  	v10 =	vmul.f32 $1.442695020e+00, v10;
	_ =	sdelay $0x1  }
0x152: {  	(erf) = vpow2.f32 v10;
	_ =	sdelay $0x8  }
0x153: {  	v10 =	vpop (erf)  }
0x154: {  	v10 =	vadd.f32 $1.000000000e+00, v10;
	_ =	sdelay $0x1  }
0x155: {  	(erf) = vrcp.f32 v10;
	_ =	sdelay $0x4  }
0x156: {  	s30 =	simm.s32 $0x0  }
0x157: {  	v10 =	vor.u32 s30, v6;
	_ =	sdelay $0x2  }
0x158: {  	v11 =	vpop (erf)  }
0x159: {  	[tilespmem:$0x5E80] =	vst v11  }
0x15a: {  	v10 =	vld.idx.msk [tilespmem:v10+s3+$0x0], $0xffff;
	_ =	sdelay $0x1  }
0x15b: {  	s31 =	simm.s32 $0x80  }
0x15c: {  	v11 =	vor.u32 s31, v6;
	_ =	sdelay $0x1  }
0x15d: {  	s25 =	simm.s32 $0x0;
	v10 =	vshrl.u32 v10, $0x4  }
0x15e: {  	s26 =	simm.s32 $0x28B0;
	v10 =	vadd.s32 s25, v10  }
0x15f: {  	[tilespmem:s26+$0x0] =	vst v10  }
0x160: {  	v10 =	vld.idx.msk [tilespmem:v11+s3+$0x0], $0xffff;
	_ =	sdelay $0x1  }
0x161: {  	s29 =	simm.s32 $0x100;
	s28 =	simm.s32 $0x3  }
.LBB2_20:
0x162: {  	p0 =	sne.s32 s28, $0x19;
	v11 =	vor.u32 s29, v6;
	_ =	sdelay $0x1  }
0x163: {  	s25 =	sadd.s32 $0x1880, s25;
	v10 =	vshrl.u32 v10, $0x4  }
0x164: {  	s26 =	sadd.s32 $0x10, s26;
	v10 =	vadd.s32 s25, v10  }
.Ltmp9:
0x165: {  	[tilespmem:s26+$0x0] =	vst v10;
	(pc) =	sbr.rel @p0 .LBB2_20-.Ltmp9, $2  }
0x166: {  	v10 =	vld.idx.msk [tilespmem:v11+s3+$0x0], $0xffff;
	_ =	sdelay $0x2  }
0x167: {  	s29 =	sshll.u32 s28, $0x7;
	s28 =	sadd.s32 $0x1, s28  }
0x168: {  	v11 =	vor.u32 s29, v6;
	_ =	sdelay $0x1  }
0x169: {  	s25 =	sadd.s32 $0x1880, s25;
	v10 =	vshrl.u32 v10, $0x4  }
0x16a: {  	s26 =	sadd.s32 $0x10, s26;
	v10 =	vadd.s32 s25, v10  }
0x16b: {  	[tilespmem:s26+$0x0] =	vst v10  }
0x16c: {  	v10 =	vld.idx.msk [tilespmem:v11+s3+$0x0], $0xffff;
	_ =	sdelay $0x4  }
0x16d: {  	s25 =	sadd.s32 $0x1880, s25;
	v10 =	vshrl.u32 v10, $0x4  }
0x16e: {  	s31 =	simm.s32 $0x0;
	s30 =	sadd.s32 $0x10, s26;
	v10 =	vadd.s32 s25, v10  }
0x16f: {  	[tilespmem:s30+$0x0] =	vst v10;
	v10 =	vor.u32 s31, v5  }
0x170: {  	[tilespmem:s20], [sflag:$0x2] =	stream.indirect.gather [hbm4b:s4+s16], $0x10, s19, s16, $0xb8;
	[tilespmem:$0x5ED0] =	vst v63  }
0x171: {  	_ =	swait.ge [sflag:s21], $0x1A00  }
0x172: {  	[sflag:s21] =	ssyncset.done $0x0  }
0x173: {  	s26 =	simm.s32 $0x80;
	[sflag:s21] =	ssyncadd.s32 $0xFFFFE600  }
0x174: {  	v11 =	vor.u32 s26, v5;
	v10 =	vld.idx.msk [tilespmem:v10+s3+$0x0], $0xffff;
	_ =	sdelay $0x1  }
0x175: {  	s28 =	simm.s32 $0x0  }
0x176: {  	v12 =	vmov s28  }
0x177: {  	s29 =	simm.s32 $0x100;
	v12 =	vshll.u32 v12, $0x4  }
0x178: {  	v13 =	vor.u32 s29, v5;
	v12 =	vor.u32 v2, v12;
	v11 =	vld.idx.msk [tilespmem:v11+s3+$0x0], $0xffff;
	v10 =	vand.u32 $0xF, v10  }
0x179: {  	v12 =	vor.u32 v12, v10  }
0x17a: {  	s30 =	simm.s32 $0x10  }
0x17b: {  	v10 =	vmov s30  }
0x17c: {  	s31 =	simm.s32 $0x180;
	v10 =	vshll.u32 v10, $0x4  }
0x17d: {  	v14 =	vor.u32 s31, v5;
	v13 =	vld.idx.msk [tilespmem:v13+s3+$0x0], $0xffff;
	v16 =	vand.u32 $0xF, v11;
	v15 =	vor.u32 v2, v10  }
0x17e: {  	v11 =	vld.idx.msk [tilespmem:v12+s18+$0x0], $0xffff;
	v12 =	vor.u32 v15, v16;
	_ =	sdelay $0x1  }
0x17f: {  	s26 =	simm.s32 $0x4;
	s25 =	simm.s32 $0x20;
	v10 =	vimm.f32 $0.0e+00  }
.LBB2_22:
0x180: {  	s28 =	sshll.u32 s26, $0x7;
	v15 =	vmov s25;
	p0 =	sne.s32 s26, $0x19  }
.Ltmp10:
0x181: {  	v16 =	vmov v13;
	v15 =	vshll.u32 v15, $0x4;
	v13 =	vld.idx.msk [tilespmem:v14+s3+$0x0], $0xffff;
	v14 =	vor.u32 s28, v5;
	(pc) =	sbr.rel @p0 .LBB2_22-.Ltmp10, $3  }
0x182: {  	s26 =	sadd.s32 $0x1, s26;
	v16 =	vand.u32 $0xF, v16;
	v10 =	vadd.f32 v11, v10;
	v15 =	vor.u32 v2, v15;
	v11 =	vld.idx.msk [tilespmem:v12+s18+$0x0], $0xffff  }
0x183: {  	v12 =	vor.u32 v15, v16;
	_ =	sdelay $0x1  }
0x184: {  	s25 =	sadd.s32 $0x10, s25  }
0x185: {  	_ = 	snop  }
0x186: {  	v15 =	vld [tilespmem:$0x26D0];
	_ =	sdelay $0x2  }
0x187: {  	v14 =	vld.idx.msk [tilespmem:v14+s3+$0x0], $0xffff  }
0x188: {  	v16 =	vmov s25  }
0x189: {  	s26 =	sadd.s32 $0x10, s25;
	v16 =	vshll.u32 v16, $0x4;
	v15 =	vsub.f32 $5.000000000e+01, v15  }
0x18a: {  	v13 =	vand.u32 $0xF, v13;
	v17 =	vmov s26;
	v16 =	vor.u32 v2, v16  }
0x18b: {  	v61 =	vshll.u32 v17, $0x4;
	v13 =	vor.u32 v16, v13;
	v15 =	vadd.f32 $9.999999930e-09, v15  }
0x18c: {  	v16 =	vor.u32 v2, v61;
	v14 =	vand.u32 $0xF, v14  }
0x18d: {  	v14 =	vor.u32 v16, v14;
	(erf) = vrcp.f32 v15  }
0x18e: {  	v12 =	vld.idx.msk [tilespmem:v12+s18+$0x0], $0xffff;
	_ =	sdelay $0x1  }
0x18f: {  	v13 =	vld.idx.msk [tilespmem:v13+s18+$0x0], $0xffff  }
0x190: {  	v62 =	vld [tilespmem:$0x2650];
	v10 =	vadd.f32 v11, v10  }
0x191: {  	v11 =	vld.idx.msk [tilespmem:v14+s18+$0x0], $0xffff  }
0x192: {  	v10 =	vadd.f32 v12, v10;
	_ =	sdelay $0x1  }
0x193: {  	v10 =	vadd.f32 v13, v10  }
0x194: {  	v63 =	vpop (erf)  }
0x195: {  	v10 =	vadd.f32 v11, v10;
	v11 =	vmul.f32 v63, v62;
	_ =	sdelay $0x1  }
0x196: {  	v10 =	vadd.f32 v11, v10;
	_ =	sdelay $0x1  }
0x197: {  	v10 =	vadd.f32 v10, v9;
	_ =	sdelay $0x1  }
0x198: {  	v10 =	vsub.f32 $0.0e+00, v10;
	_ =	sdelay $0x1  }
0x199: {  	v10 =	vmul.f32 $1.442695020e+00, v10;
	_ =	sdelay $0x1  }
0x19a: {  	(erf) = vpow2.f32 v10;
	_ =	sdelay $0x8  }
0x19b: {  	v10 =	vpop (erf)  }
0x19c: {  	v10 =	vadd.f32 $1.000000000e+00, v10;
	_ =	sdelay $0x1  }
0x19d: {  	(erf) = vrcp.f32 v10;
	_ =	sdelay $0x4  }
0x19e: {  	s30 =	simm.s32 $0x0  }
0x19f: {  	v10 =	vor.u32 s30, v7;
	_ =	sdelay $0x2  }
0x1a0: {  	v11 =	vpop (erf)  }
0x1a1: {  	[tilespmem:$0x5E90] =	vst v11  }
0x1a2: {  	v10 =	vld.idx.msk [tilespmem:v10+s3+$0x0], $0xffff;
	_ =	sdelay $0x1  }
0x1a3: {  	s31 =	simm.s32 $0x80  }
0x1a4: {  	v11 =	vor.u32 s31, v7;
	_ =	sdelay $0x1  }
0x1a5: {  	s25 =	simm.s32 $0x0;
	v10 =	vshrl.u32 v10, $0x4  }
0x1a6: {  	s26 =	simm.s32 $0x2710;
	v10 =	vadd.s32 s25, v10  }
0x1a7: {  	[tilespmem:s26+$0x0] =	vst v10  }
0x1a8: {  	v10 =	vld.idx.msk [tilespmem:v11+s3+$0x0], $0xffff;
	_ =	sdelay $0x1  }
0x1a9: {  	s29 =	simm.s32 $0x100;
	s28 =	simm.s32 $0x3  }
.LBB2_24:
0x1aa: {  	p0 =	sne.s32 s28, $0x19;
	v11 =	vor.u32 s29, v7;
	_ =	sdelay $0x1  }
0x1ab: {  	s25 =	sadd.s32 $0x1880, s25;
	v10 =	vshrl.u32 v10, $0x4  }
0x1ac: {  	s26 =	sadd.s32 $0x10, s26;
	v10 =	vadd.s32 s25, v10  }
.Ltmp11:
0x1ad: {  	[tilespmem:s26+$0x0] =	vst v10;
	(pc) =	sbr.rel @p0 .LBB2_24-.Ltmp11, $2  }
0x1ae: {  	v10 =	vld.idx.msk [tilespmem:v11+s3+$0x0], $0xffff;
	_ =	sdelay $0x2  }
0x1af: {  	s29 =	sshll.u32 s28, $0x7;
	s28 =	sadd.s32 $0x1, s28  }
0x1b0: {  	v11 =	vor.u32 s29, v7;
	_ =	sdelay $0x1  }
0x1b1: {  	s25 =	sadd.s32 $0x1880, s25;
	v10 =	vshrl.u32 v10, $0x4  }
0x1b2: {  	s26 =	sadd.s32 $0x10, s26;
	v10 =	vadd.s32 s25, v10  }
0x1b3: {  	[tilespmem:s26+$0x0] =	vst v10  }
0x1b4: {  	v10 =	vld.idx.msk [tilespmem:v11+s3+$0x0], $0xffff;
	_ =	sdelay $0x4  }
0x1b5: {  	s25 =	sadd.s32 $0x1880, s25;
	v10 =	vshrl.u32 v10, $0x4  }
0x1b6: {  	s31 =	simm.s32 $0x0;
	s30 =	sadd.s32 $0x10, s26;
	v10 =	vadd.s32 s25, v10  }
0x1b7: {  	[tilespmem:s30+$0x0] =	vst v10;
	v10 =	vor.u32 s31, v6  }
0x1b8: {  	[tilespmem:s18], [sflag:$0x1] =	stream.indirect.gather [hbm4b:s4+s16], $0x10, s17, s16, $0xb8;
	[tilespmem:$0x5ED0] =	vst v63  }
0x1b9: {  	_ =	swait.ge [sflag:s22], $0x1A00  }
0x1ba: {  	[sflag:s22] =	ssyncset.done $0x0  }
0x1bb: {  	s26 =	simm.s32 $0x80;
	[sflag:s22] =	ssyncadd.s32 $0xFFFFE600  }
0x1bc: {  	v11 =	vor.u32 s26, v6;
	v10 =	vld.idx.msk [tilespmem:v10+s3+$0x0], $0xffff;
	_ =	sdelay $0x1  }
0x1bd: {  	s28 =	simm.s32 $0x0  }
0x1be: {  	v12 =	vmov s28  }
0x1bf: {  	s29 =	simm.s32 $0x100;
	v12 =	vshll.u32 v12, $0x4  }
0x1c0: {  	v13 =	vor.u32 s29, v6;
	v12 =	vor.u32 v2, v12;
	v11 =	vld.idx.msk [tilespmem:v11+s3+$0x0], $0xffff;
	v10 =	vand.u32 $0xF, v10  }
0x1c1: {  	v12 =	vor.u32 v12, v10  }
0x1c2: {  	s30 =	simm.s32 $0x10  }
0x1c3: {  	v10 =	vmov s30  }
0x1c4: {  	s31 =	simm.s32 $0x180;
	v10 =	vshll.u32 v10, $0x4  }
0x1c5: {  	v14 =	vor.u32 s31, v6;
	v13 =	vld.idx.msk [tilespmem:v13+s3+$0x0], $0xffff;
	v16 =	vand.u32 $0xF, v11;
	v15 =	vor.u32 v2, v10  }
0x1c6: {  	v11 =	vld.idx.msk [tilespmem:v12+s20+$0x0], $0xffff;
	v12 =	vor.u32 v15, v16;
	_ =	sdelay $0x1  }
0x1c7: {  	s26 =	simm.s32 $0x4;
	s25 =	simm.s32 $0x20;
	v10 =	vimm.f32 $0.0e+00  }
.LBB2_26:
0x1c8: {  	s28 =	sshll.u32 s26, $0x7;
	v15 =	vmov s25;
	p0 =	sne.s32 s26, $0x19  }
.Ltmp12:
0x1c9: {  	v16 =	vmov v13;
	v15 =	vshll.u32 v15, $0x4;
	v13 =	vld.idx.msk [tilespmem:v14+s3+$0x0], $0xffff;
	v14 =	vor.u32 s28, v6;
	(pc) =	sbr.rel @p0 .LBB2_26-.Ltmp12, $3  }
0x1ca: {  	s26 =	sadd.s32 $0x1, s26;
	v16 =	vand.u32 $0xF, v16;
	v10 =	vadd.f32 v11, v10;
	v15 =	vor.u32 v2, v15;
	v11 =	vld.idx.msk [tilespmem:v12+s20+$0x0], $0xffff  }
0x1cb: {  	v12 =	vor.u32 v15, v16;
	_ =	sdelay $0x1  }
0x1cc: {  	s25 =	sadd.s32 $0x10, s25  }
0x1cd: {  	_ = 	snop  }
0x1ce: {  	v15 =	vld [tilespmem:$0x26E0];
	_ =	sdelay $0x2  }
0x1cf: {  	v14 =	vld.idx.msk [tilespmem:v14+s3+$0x0], $0xffff  }
0x1d0: {  	v16 =	vmov s25  }
0x1d1: {  	s26 =	sadd.s32 $0x10, s25;
	v16 =	vshll.u32 v16, $0x4;
	v15 =	vsub.f32 $5.000000000e+01, v15  }
0x1d2: {  	v13 =	vand.u32 $0xF, v13;
	v17 =	vmov s26;
	v16 =	vor.u32 v2, v16  }
0x1d3: {  	v61 =	vshll.u32 v17, $0x4;
	v13 =	vor.u32 v16, v13;
	v15 =	vadd.f32 $9.999999930e-09, v15  }
0x1d4: {  	v16 =	vor.u32 v2, v61;
	v14 =	vand.u32 $0xF, v14  }
0x1d5: {  	v14 =	vor.u32 v16, v14;
	(erf) = vrcp.f32 v15  }
0x1d6: {  	v12 =	vld.idx.msk [tilespmem:v12+s20+$0x0], $0xffff;
	_ =	sdelay $0x1  }
0x1d7: {  	v13 =	vld.idx.msk [tilespmem:v13+s20+$0x0], $0xffff  }
0x1d8: {  	v62 =	vld [tilespmem:$0x2660];
	v10 =	vadd.f32 v11, v10  }
0x1d9: {  	v11 =	vld.idx.msk [tilespmem:v14+s20+$0x0], $0xffff  }
0x1da: {  	v10 =	vadd.f32 v12, v10;
	_ =	sdelay $0x1  }
0x1db: {  	v10 =	vadd.f32 v13, v10  }
0x1dc: {  	v63 =	vpop (erf)  }
0x1dd: {  	v10 =	vadd.f32 v11, v10;
	v11 =	vmul.f32 v63, v62;
	_ =	sdelay $0x1  }
0x1de: {  	v10 =	vadd.f32 v11, v10;
	_ =	sdelay $0x1  }
0x1df: {  	v10 =	vadd.f32 v10, v9;
	_ =	sdelay $0x1  }
0x1e0: {  	v10 =	vsub.f32 $0.0e+00, v10;
	_ =	sdelay $0x1  }
0x1e1: {  	v10 =	vmul.f32 $1.442695020e+00, v10;
	_ =	sdelay $0x1  }
0x1e2: {  	(erf) = vpow2.f32 v10;
	_ =	sdelay $0x8  }
0x1e3: {  	v10 =	vpop (erf)  }
0x1e4: {  	v10 =	vadd.f32 $1.000000000e+00, v10;
	_ =	sdelay $0x1  }
0x1e5: {  	(erf) = vrcp.f32 v10;
	_ =	sdelay $0x4  }
0x1e6: {  	s30 =	simm.s32 $0x0  }
0x1e7: {  	v10 =	vor.u32 s30, v8;
	_ =	sdelay $0x2  }
0x1e8: {  	v11 =	vpop (erf)  }
0x1e9: {  	[tilespmem:$0x5EA0] =	vst v11  }
0x1ea: {  	v10 =	vld.idx.msk [tilespmem:v10+s3+$0x0], $0xffff;
	_ =	sdelay $0x1  }
0x1eb: {  	s31 =	simm.s32 $0x80  }
0x1ec: {  	v11 =	vor.u32 s31, v8;
	_ =	sdelay $0x1  }
0x1ed: {  	s25 =	simm.s32 $0x0;
	v10 =	vshrl.u32 v10, $0x4  }
0x1ee: {  	s26 =	simm.s32 $0x28B0;
	v10 =	vadd.s32 s25, v10  }
0x1ef: {  	[tilespmem:s26+$0x0] =	vst v10  }
0x1f0: {  	v10 =	vld.idx.msk [tilespmem:v11+s3+$0x0], $0xffff;
	_ =	sdelay $0x1  }
0x1f1: {  	s29 =	simm.s32 $0x100;
	s28 =	simm.s32 $0x3  }
.LBB2_28:
0x1f2: {  	p0 =	sne.s32 s28, $0x19;
	v11 =	vor.u32 s29, v8;
	_ =	sdelay $0x1  }
0x1f3: {  	s25 =	sadd.s32 $0x1880, s25;
	v10 =	vshrl.u32 v10, $0x4  }
0x1f4: {  	s26 =	sadd.s32 $0x10, s26;
	v10 =	vadd.s32 s25, v10  }
.Ltmp13:
0x1f5: {  	[tilespmem:s26+$0x0] =	vst v10;
	(pc) =	sbr.rel @p0 .LBB2_28-.Ltmp13, $2  }
0x1f6: {  	v10 =	vld.idx.msk [tilespmem:v11+s3+$0x0], $0xffff;
	_ =	sdelay $0x2  }
0x1f7: {  	s29 =	sshll.u32 s28, $0x7;
	s28 =	sadd.s32 $0x1, s28  }
0x1f8: {  	v11 =	vor.u32 s29, v8;
	_ =	sdelay $0x1  }
0x1f9: {  	s25 =	sadd.s32 $0x1880, s25;
	v10 =	vshrl.u32 v10, $0x4  }
0x1fa: {  	s26 =	sadd.s32 $0x10, s26;
	v10 =	vadd.s32 s25, v10  }
0x1fb: {  	[tilespmem:s26+$0x0] =	vst v10  }
0x1fc: {  	v10 =	vld.idx.msk [tilespmem:v11+s3+$0x0], $0xffff;
	_ =	sdelay $0x4  }
0x1fd: {  	s25 =	sadd.s32 $0x1880, s25;
	v10 =	vshrl.u32 v10, $0x4  }
0x1fe: {  	s31 =	simm.s32 $0x0;
	s30 =	sadd.s32 $0x10, s26;
	v10 =	vadd.s32 s25, v10  }
0x1ff: {  	[tilespmem:s30+$0x0] =	vst v10;
	v10 =	vor.u32 s31, v7  }
0x200: {  	[tilespmem:s20], [sflag:$0x2] =	stream.indirect.gather [hbm4b:s4+s16], $0x10, s19, s16, $0xb8;
	[tilespmem:$0x5ED0] =	vst v63  }
0x201: {  	_ =	swait.ge [sflag:s21], $0x1A00  }
0x202: {  	[sflag:s21] =	ssyncset.done $0x0  }
0x203: {  	s26 =	simm.s32 $0x80;
	[sflag:s21] =	ssyncadd.s32 $0xFFFFE600  }
0x204: {  	v11 =	vor.u32 s26, v7;
	v10 =	vld.idx.msk [tilespmem:v10+s3+$0x0], $0xffff;
	_ =	sdelay $0x1  }
0x205: {  	s28 =	simm.s32 $0x0  }
0x206: {  	v12 =	vmov s28  }
0x207: {  	s29 =	simm.s32 $0x100;
	v12 =	vshll.u32 v12, $0x4  }
0x208: {  	v13 =	vor.u32 s29, v7;
	v12 =	vor.u32 v2, v12;
	v11 =	vld.idx.msk [tilespmem:v11+s3+$0x0], $0xffff;
	v10 =	vand.u32 $0xF, v10  }
0x209: {  	v12 =	vor.u32 v12, v10  }
0x20a: {  	s30 =	simm.s32 $0x10  }
0x20b: {  	v10 =	vmov s30  }
0x20c: {  	s31 =	simm.s32 $0x180;
	v10 =	vshll.u32 v10, $0x4  }
0x20d: {  	v14 =	vor.u32 s31, v7;
	v13 =	vld.idx.msk [tilespmem:v13+s3+$0x0], $0xffff;
	v16 =	vand.u32 $0xF, v11;
	v15 =	vor.u32 v2, v10  }
0x20e: {  	v11 =	vld.idx.msk [tilespmem:v12+s18+$0x0], $0xffff;
	v12 =	vor.u32 v15, v16;
	_ =	sdelay $0x1  }
0x20f: {  	s26 =	simm.s32 $0x4;
	s25 =	simm.s32 $0x20;
	v10 =	vimm.f32 $0.0e+00  }
.LBB2_30:
0x210: {  	s28 =	sshll.u32 s26, $0x7;
	v15 =	vmov s25;
	p0 =	sne.s32 s26, $0x19  }
.Ltmp14:
0x211: {  	v16 =	vmov v13;
	v15 =	vshll.u32 v15, $0x4;
	v13 =	vld.idx.msk [tilespmem:v14+s3+$0x0], $0xffff;
	v14 =	vor.u32 s28, v7;
	(pc) =	sbr.rel @p0 .LBB2_30-.Ltmp14, $3  }
0x212: {  	s26 =	sadd.s32 $0x1, s26;
	v16 =	vand.u32 $0xF, v16;
	v10 =	vadd.f32 v11, v10;
	v15 =	vor.u32 v2, v15;
	v11 =	vld.idx.msk [tilespmem:v12+s18+$0x0], $0xffff  }
0x213: {  	v12 =	vor.u32 v15, v16;
	_ =	sdelay $0x1  }
0x214: {  	s25 =	sadd.s32 $0x10, s25  }
0x215: {  	_ =	sdelay $0x1  }
0x216: {  	v15 =	vld [tilespmem:$0x26F0];
	_ =	sdelay $0x1  }
0x217: {  	v14 =	vld.idx.msk [tilespmem:v14+s3+$0x0], $0xffff  }
0x218: {  	v16 =	vmov s25  }
0x219: {  	s30 =	sadd.s32 $0x10, s25;
	v13 =	vand.u32 $0xF, v13;
	v16 =	vshll.u32 v16, $0x4  }
0x21a: {  	v17 =	vmov s30;
	v16 =	vor.u32 v2, v16;
	v15 =	vsub.f32 $5.000000000e+01, v15  }
0x21b: {  	v63 =	vshll.u32 v17, $0x4;
	v13 =	vor.u32 v16, v13  }
0x21c: {  	v16 =	vor.u32 v2, v63;
	v14 =	vand.u32 $0xF, v14;
	v15 =	vadd.f32 $9.999999930e-09, v15  }
0x21d: {  	v14 =	vor.u32 v16, v14  }
0x21e: {  	(erf) = vrcp.f32 v15  }
0x21f: {  	v12 =	vld.idx.msk [tilespmem:v12+s18+$0x0], $0xffff;
	_ =	sdelay $0x1  }
0x220: {  	v13 =	vld.idx.msk [tilespmem:v13+s18+$0x0], $0xffff  }
0x221: {  	v10 =	vadd.f32 v11, v10;
	v11 =	vld.idx.msk [tilespmem:v14+s18+$0x0], $0xffff  }
0x222: {  	v14 =	vld [tilespmem:$0x2670]  }
0x223: {  	v10 =	vadd.f32 v12, v10;
	_ =	sdelay $0x1  }
0x224: {  	v10 =	vadd.f32 v13, v10  }
0x225: {  	v12 =	vpop (erf)  }
0x226: {  	v10 =	vadd.f32 v11, v10;
	v11 =	vmul.f32 v12, v14;
	_ =	sdelay $0x1  }
0x227: {  	v10 =	vadd.f32 v11, v10;
	_ =	sdelay $0x1  }
0x228: {  	v10 =	vadd.f32 v10, v9;
	_ =	sdelay $0x1  }
0x229: {  	v10 =	vsub.f32 $0.0e+00, v10;
	_ =	sdelay $0x1  }
0x22a: {  	v10 =	vmul.f32 $1.442695020e+00, v10;
	_ =	sdelay $0x1  }
0x22b: {  	(erf) = vpow2.f32 v10;
	_ =	sdelay $0x8  }
0x22c: {  	v10 =	vpop (erf)  }
0x22d: {  	v10 =	vadd.f32 $1.000000000e+00, v10;
	_ =	sdelay $0x1  }
0x22e: {  	(erf) = vrcp.f32 v10;
	_ =	sdelay $0x7  }
0x22f: {  	s31 =	simm.s32 $0x0  }
0x230: {  	v11 =	vor.u32 s31, v8;
	v10 =	vpop (erf)  }
0x231: {  	[tilespmem:$0x5EB0] =	vst v10  }
0x232: {  	_ =	swait.ge [sflag:s22], $0x1A00  }
0x233: {  	[sflag:s22] =	ssyncset.done $0x0  }
0x234: {  	s26 =	simm.s32 $0x80;
	[sflag:s22] =	ssyncadd.s32 $0xFFFFE600  }
0x235: {  	v10 =	vor.u32 s26, v8;
	v11 =	vld.idx.msk [tilespmem:v11+s3+$0x0], $0xffff;
	_ =	sdelay $0x1  }
0x236: {  	s28 =	simm.s32 $0x0  }
0x237: {  	v12 =	vmov s28  }
0x238: {  	s29 =	simm.s32 $0x100;
	v12 =	vshll.u32 v12, $0x4  }
0x239: {  	v13 =	vor.u32 s29, v8;
	v12 =	vor.u32 v2, v12;
	v10 =	vld.idx.msk [tilespmem:v10+s3+$0x0], $0xffff;
	v11 =	vand.u32 $0xF, v11  }
0x23a: {  	v11 =	vor.u32 v12, v11  }
0x23b: {  	s30 =	simm.s32 $0x10  }
0x23c: {  	v12 =	vmov s30  }
0x23d: {  	s31 =	simm.s32 $0x180;
	v12 =	vshll.u32 v12, $0x4  }
0x23e: {  	v14 =	vor.u32 s31, v8;
	v13 =	vld.idx.msk [tilespmem:v13+s3+$0x0], $0xffff;
	v15 =	vand.u32 $0xF, v10;
	v12 =	vor.u32 v2, v12  }
0x23f: {  	v12 =	vor.u32 v12, v15;
	v11 =	vld.idx.msk [tilespmem:v11+s20+$0x0], $0xffff;
	_ =	sdelay $0x1  }
0x240: {  	s25 =	simm.s32 $0x20;
	s26 =	simm.s32 $0x4;
	v10 =	vimm.f32 $0.0e+00  }
.LBB2_32:
0x241: {  	s28 =	sshll.u32 s26, $0x7;
	v15 =	vmov s25;
	p0 =	sne.s32 s26, $0x19  }
.Ltmp15:
0x242: {  	v16 =	vmov v13;
	v15 =	vshll.u32 v15, $0x4;
	v13 =	vld.idx.msk [tilespmem:v14+s3+$0x0], $0xffff;
	v14 =	vor.u32 s28, v8;
	(pc) =	sbr.rel @p0 .LBB2_32-.Ltmp15, $3  }
0x243: {  	s26 =	sadd.s32 $0x1, s26;
	v16 =	vand.u32 $0xF, v16;
	v10 =	vadd.f32 v11, v10;
	v15 =	vor.u32 v2, v15;
	v11 =	vld.idx.msk [tilespmem:v12+s20+$0x0], $0xffff  }
0x244: {  	v12 =	vor.u32 v15, v16;
	_ =	sdelay $0x1  }
0x245: {  	s25 =	sadd.s32 $0x10, s25  }
0x246: {  	_ = 	snop  }
0x247: {  	v15 =	vld [tilespmem:$0x2700];
	_ =	sdelay $0x2  }
0x248: {  	v14 =	vld.idx.msk [tilespmem:v14+s3+$0x0], $0xffff  }
0x249: {  	v16 =	vmov s25  }
0x24a: {  	s31 =	sadd.s32 $0x10, s25;
	v16 =	vshll.u32 v16, $0x4;
	v15 =	vsub.f32 $5.000000000e+01, v15  }
0x24b: {  	v13 =	vand.u32 $0xF, v13;
	v17 =	vmov s31;
	v16 =	vor.u32 v2, v16  }
0x24c: {  	v61 =	vshll.u32 v17, $0x4;
	v13 =	vor.u32 v16, v13;
	v15 =	vadd.f32 $9.999999930e-09, v15  }
0x24d: {  	v16 =	vor.u32 v2, v61;
	v14 =	vand.u32 $0xF, v14  }
0x24e: {  	v14 =	vor.u32 v16, v14;
	(erf) = vrcp.f32 v15  }
0x24f: {  	v12 =	vld.idx.msk [tilespmem:v12+s20+$0x0], $0xffff;
	_ =	sdelay $0x1  }
0x250: {  	v13 =	vld.idx.msk [tilespmem:v13+s20+$0x0], $0xffff  }
0x251: {  	v62 =	vld [tilespmem:$0x2680];
	v10 =	vadd.f32 v11, v10  }
0x252: {  	v11 =	vld.idx.msk [tilespmem:v14+s20+$0x0], $0xffff  }
0x253: {  	v10 =	vadd.f32 v12, v10;
	_ =	sdelay $0x1  }
0x254: {  	v10 =	vadd.f32 v13, v10  }
0x255: {  	v63 =	vpop (erf)  }
0x256: {  	v10 =	vadd.f32 v11, v10;
	v11 =	vmul.f32 v63, v62;
	_ =	sdelay $0x1  }
0x257: {  	v10 =	vadd.f32 v11, v10;
	_ =	sdelay $0x1  }
0x258: {  	v9 =	vadd.f32 v10, v9;
	_ =	sdelay $0x1  }
0x259: {  	v9 =	vsub.f32 $0.0e+00, v9;
	_ =	sdelay $0x1  }
0x25a: {  	v9 =	vmul.f32 $1.442695020e+00, v9;
	_ =	sdelay $0x1  }
0x25b: {  	(erf) = vpow2.f32 v9;
	_ =	sdelay $0x8  }
0x25c: {  	v9 =	vpop (erf)  }
0x25d: {  	v9 =	vadd.f32 $1.000000000e+00, v9;
	_ =	sdelay $0x1  }
0x25e: {  	(erf) = vrcp.f32 v9;
	_ =	sdelay $0x7  }
0x25f: {  	s24 =	sadd.s32 $0x1, s24  }
0x260: {  	p0 =	sne.s32 s24, s9;
	v9 =	vpop (erf)  }
.Ltmp16:
0x261: {  	[tilespmem:$0x5EC0] =	vst v9;
	(pc) =	sbr.rel @p0 .LBB2_1-.Ltmp16, $4  }
0x262: {  	[hbm4b:s8+s3] =	stream.linear.scatter [tilespmem:s23], [sflag:$0x3], $0x80, $0x38;
	[tilespmem:$0x5ED0] =	vst v63  }
0x263: {  	_ =	swait.ge [sflag:s12], $0x80  }
0x264: {  	[sflag:s12] =	ssyncset.done $0x0  }
0x265: {  	[sflag:s12] =	ssyncadd.s32 $0xFFFFFF80  }
0x266: {  	_ =	sfence.sel $0x180000  }
0x267: {  	[bflag:$0x0] =	sbarrier.arrive $0xFFFF  }
0x268: {  	p0 =	sne.s32 s2, $0x0;
	_ =	strace $0x9000004A  }
0x269: {  	s0 =	sadd.s32 @!p0 $0x100000, s0;
	[bflag:$0x2] =	sbarrier.arrive $0xFFFF  }
0x26a: {  	[sflag:s0] =	ssyncadd.tile.s32 @!p0 $0x1;
	_ =	shalt  }
.Lfunc_end2:
_tile_overlayer_lowered:
.L_overlay_start_2:
0x26b: {  	(tag) =	ssettag $0x2  }
0x26c: {  	s0 =	rddreg [dreg:$0x0];
	s2 =	stileid.u32  }
0x26d: {  	s1 =	rddreg [dreg:$0x1];
	p0 =	sne.s32 s2, $0x0  }
0x26e: {  	s3 =	rddreg [dreg:$0x2];
	[bflag:$0x3] =	sbarrier.arrive $0xFFFF;
	s2 =	simm.s32 @!p0 $0x1C03  }
0x26f: {  	[timem:s3], [sflag:s2] =	dma.local @!p0 [hbm:s0], s1  }
0x270: {  	s0 =	simm.s32 @!p0 $0x3  }
0x271: {  	_ =	swait.ge @!p0 [sflag:s0], s1  }
0x272: {  	s1 =	ssub.s32 @!p0 $0x0, s1;
	[sflag:s0] =	ssyncset.done @!p0 $0x0  }
0x273: {  	[sflag:s0] =	ssyncadd.s32 @!p0 s1  }
0x274: {  	[bflag:$0x3] =	sbarrier.arrive $0xFFFF  }
0x275: {  	_ =	shalt  }

</sc_bundles>
